<compile_context>
chip_gen: v7x
topology: tpu7x:2x2x1
jax: 0.10.2.dev20260603
libtpu: 0.0.44.dev20260713+nightly
codegen_flags: <defaults>
</compile_context>

<pallas_src>
import functools

import jax
import jax.numpy as jnp
from jax import lax
from jax.experimental import pallas as pl
from jax.experimental.pallas import tpu as pltpu
from jax.experimental.pallas import tpu_sc as plsc

TOPK_FRAC = 0.2
_SUBR = 128
_NC, _NS, _LN = 2, 16, 16
_NW = _NC * _NS
_HR, _HCOL = 256, 128



def _loss_kernel(logits_ref, labels_ref, keys_ref):
    x = logits_ref[0]
    lab = labels_ref[0]
    m = jnp.max(x, axis=0)
    s = jnp.sum(jnp.exp(x - m[None]), axis=0)
    lse = jnp.log(s) + m
    cls = lax.broadcasted_iota(jnp.int32, x.shape, 0)
    picked = jnp.sum(jnp.where(cls == lab[None], x, 0.0), axis=0)
    loss = lse - picked
    keys_ref[0] = lax.bitcast_convert_type(loss, jnp.int32)



def _sc_hist_body(rows_per_w, keys_hbm, cnt_out, sum_out, buf, cnt, hsum,
                  idx_lo, idx_hi, sh_cnt, sh_sum):
    c = lax.axis_index("c")
    s = lax.axis_index("s")
    wid = c * _NS + s
    batch = wid >> 2
    quarter = wid & 3
    iota = lax.broadcasted_iota(jnp.int32, (_LN,), 0)
    zi = jnp.zeros((_LN,), jnp.int32)
    zf = jnp.zeros((_LN,), jnp.float32)

    @plsc.parallel_loop(0, _HR, unroll=4)
    def _(i):
        for u in range(8):
            cnt[i, pl.ds(u * _LN, _LN)] = zi
            hsum[i, pl.ds(u * _LN, _LN)] = zf

    @pl.when(s == 0)
    def _():
        pltpu.sync_copy(cnt, sh_cnt)
        pltpu.sync_copy(hsum, sh_sum)

    plsc.subcore_barrier()

    ones = jnp.ones((_LN,), jnp.int32)
    half = rows_per_w // 2
    for h in range(2):
        pltpu.sync_copy(
            keys_hbm.at[batch, pl.ds(quarter * rows_per_w + h * half, half),
                        :], buf)

        @plsc.parallel_loop(0, half * 512 // _LN, unroll=8)
        def _(i):
            r = lax.shift_right_logical(i, 5)
            u = i & 31
            kv = buf[r, pl.ds(u * _LN, _LN)]
            bkt = lax.shift_right_logical(kv, 16)
            brow = lax.shift_right_logical(bkt, 7)
            bcol = bkt & 127
            plsc.addupdate_scatter(cnt, [brow, bcol], ones)
            plsc.addupdate_scatter(hsum, [brow, bcol],
                                   plsc.bitcast(kv, jnp.float32))

    for u in range(8):
        idx_lo[pl.ds(u * _LN, _LN)] = iota + u * _LN
        idx_hi[pl.ds(u * _LN, _LN)] = iota + 128 + u * _LN

    pltpu.sync_copy(cnt.at[pl.ds(0, 128)], sh_cnt.at[idx_lo], add=True)
    pltpu.sync_copy(cnt.at[pl.ds(128, 128)], sh_cnt.at[idx_hi], add=True)
    pltpu.sync_copy(hsum.at[pl.ds(0, 128)], sh_sum.at[idx_lo], add=True)
    pltpu.sync_copy(hsum.at[pl.ds(128, 128)], sh_sum.at[idx_hi], add=True)
    plsc.subcore_barrier()

    @pl.when(s == 0)
    def _():
        pltpu.sync_copy(sh_cnt, cnt_out.at[c])
        pltpu.sync_copy(sh_sum, sum_out.at[c])



def _finish_kernel(k, cnt_ref, sum_ref, out_ref):
    kf = jnp.float32(k)
    g = (cnt_ref[0] + cnt_ref[1]).astype(jnp.float32)
    gs = sum_ref[0] + sum_ref[1]

    ones_col = jnp.ones((_HCOL, 1), jnp.float32)
    i0 = lax.broadcasted_iota(jnp.int32, (_HR, _HR), 0)
    i1 = lax.broadcasted_iota(jnp.int32, (_HR, _HR), 1)
    mge_r = (i1 >= i0).astype(jnp.float32)
    c0 = lax.broadcasted_iota(jnp.int32, (_HCOL, _HCOL), 0)
    c1 = lax.broadcasted_iota(jnp.int32, (_HCOL, _HCOL), 1)
    mge_c = (c0 >= c1).astype(jnp.float32)

    dot = functools.partial(jax.lax.dot_general,
                            dimension_numbers=(((1,), (0,)), ((), ())),
                            precision=jax.lax.Precision.HIGHEST,
                            preferred_element_type=jnp.float32)

    rt = dot(g, ones_col)
    rf = dot(gs, ones_col)
    s_row = dot(mge_r, rt)
    sf_row = dot(mge_r, rf)
    iota_r = lax.broadcasted_iota(jnp.int32, (_HR, 1), 0)
    rmask = s_row >= kf
    rowsel = jnp.max(jnp.where(rmask, iota_r, -1))

    def _at_r(v):
        return jnp.sum(jnp.where(iota_r == rowsel, v, 0.0))

    cum_at = _at_r(s_row) - _at_r(rt)
    cumf_at = _at_r(sf_row) - _at_r(rf)

    sel2 = lax.broadcasted_iota(jnp.int32, (_HR, _HCOL), 0) == rowsel
    rowc = jnp.sum(jnp.where(sel2, g, 0.0), axis=0, keepdims=True)
    rowf = jnp.sum(jnp.where(sel2, gs, 0.0), axis=0, keepdims=True)
    sc = cum_at + dot(rowc, mge_c)
    scf = dot(rowf, mge_c)
    iota_c = lax.broadcasted_iota(jnp.int32, (1, _HCOL), 1)
    cmask = sc >= kf
    j = jnp.max(jnp.where(cmask, iota_c, -1))

    def _at_c(v):
        return jnp.sum(jnp.where(iota_c == j, v, 0.0))

    c_above = _at_c(sc) - _at_c(rowc)
    s_above = cumf_at + _at_c(scf) - _at_c(rowf)
    b = rowsel * _HCOL + j

    tval = lax.bitcast_convert_type(
        jnp.full((1, 1), (b << 16) | 0x8000, jnp.int32), jnp.float32)
    out_ref[...] = (s_above + (kf - c_above) * tval) * (1.0 / k)



@jax.jit
def kernel(logits, labels):
    b, c, h, w = logits.shape
    total = b * h * w
    k = int(TOPK_FRAC * total)
    nblk = h // _SUBR
    rows_per_w = (b * h) // _NW

    keys = pl.pallas_call(
        _loss_kernel,
        grid=(b, nblk),
        in_specs=[
            pl.BlockSpec((1, c, _SUBR, w), lambda i, j: (i, 0, j, 0)),
            pl.BlockSpec((1, _SUBR, w), lambda i, j: (i, j, 0)),
        ],
        out_specs=pl.BlockSpec((1, _SUBR, w), lambda i, j: (i, j, 0)),
        out_shape=jax.ShapeDtypeStruct((b, h, w), jnp.int32),
        compiler_params=pltpu.CompilerParams(
            dimension_semantics=("arbitrary", "arbitrary")),
    )(logits, labels)

    mesh = plsc.VectorSubcoreMesh(core_axis_name="c", subcore_axis_name="s")
    sc_params = pltpu.CompilerParams(needs_layout_passes=False)

    cnt1, sum1 = pl.kernel(
        functools.partial(_sc_hist_body, rows_per_w),
        out_type=[jax.ShapeDtypeStruct((_NC, _HR, _HCOL), jnp.int32),
                  jax.ShapeDtypeStruct((_NC, _HR, _HCOL), jnp.float32)],
        mesh=mesh,
        scratch_types=[
            pltpu.VMEM((rows_per_w // 2, w), jnp.int32),
            pltpu.VMEM((_HR, _HCOL), jnp.int32),
            pltpu.VMEM((_HR, _HCOL), jnp.float32),
            pltpu.VMEM((128,), jnp.int32),
            pltpu.VMEM((128,), jnp.int32),
            pltpu.VMEM_SHARED((_HR, _HCOL), jnp.int32),
            pltpu.VMEM_SHARED((_HR, _HCOL), jnp.float32),
        ],
        compiler_params=sc_params,
    )(keys)

    out = pl.pallas_call(
        functools.partial(_finish_kernel, k),
        out_shape=jax.ShapeDtypeStruct((1, 1), jnp.float32),
    )(cnt1, sum1)
    return out[0, 0]

# --- scband reference (transcript-rebuilt; emitter-appended) ---
"""Pipeline reference for scband-bootstrap-ce-28784870818112 (READ-ONLY COPY).

The authoritative reference and input builder live on the scoring server;
editing this copy changes nothing except your own understanding.
"""

import jax, jax.numpy as jnp
import numpy as np

TOP_K_PERCENT = 0.2
NUM_CLASSES = 19


def setup_inputs(seed: int = 0) -> dict:
    key = jax.random.key(seed)
    k1, k2 = jax.random.split(key)
    logits = jax.random.normal(k1, (8, NUM_CLASSES, 512, 512), dtype=jnp.float32)
    labels = jax.random.randint(k2, (8, 512, 512), 0, NUM_CLASSES, dtype=jnp.int32)
    return {"logits": logits, "labels": labels}


def reference(logits, labels):
    # CrossEntropyLoss(reduction='none') over class dim (axis=1)
    log_probs = jax.nn.log_softmax(logits, axis=1)
    nll = -jnp.take_along_axis(log_probs, labels[:, None, :, :], axis=1)[:, 0]
    pixel_losses = nll.reshape(-1)
    if TOP_K_PERCENT == 1.0:
        return pixel_losses.mean()
    top_k_pixels = int(TOP_K_PERCENT * pixel_losses.size)
    top_losses, _ = jax.lax.top_k(pixel_losses, top_k_pixels)
    return top_losses.mean()

if __name__ == "__main__":
    import jax
    _d = setup_inputs()
    print(jax.jit(kernel)(*tuple(_d.values())))

</pallas_src>

<mosaic_0001>
#map = affine_map<(d0, d1) -> (0, 0, 0)>
module attributes {stable_mosaic.version = 14 : i64} {
  func.func @_sc_hist_body(%arg0: i32, %arg1: i32, %arg2: memref<8x512x512xi32, #tpu.memory_space<hbm>>, %arg3: memref<2x256x128xi32, #tpu.memory_space<hbm>>, %arg4: memref<2x256x128xf32, #tpu.memory_space<hbm>>, %arg5: memref<64x512xi32, #tpu.memory_space<vmem>>, %arg6: memref<256x128xi32, #tpu.memory_space<vmem>>, %arg7: memref<256x128xf32, #tpu.memory_space<vmem>>, %arg8: memref<128xi32, #tpu.memory_space<vmem>>, %arg9: memref<128xi32, #tpu.memory_space<vmem>>, %arg10: memref<256x128xi32, #tpu.memory_space<vmem_shared>>, %arg11: memref<256x128xf32, #tpu.memory_space<vmem_shared>>) attributes {dimension_semantics = [#tpu.dimension_semantics<core_parallel>, #tpu.dimension_semantics<subcore_parallel>], iteration_bounds = array<i64: 2, 16>, scalar_prefetch = 0 : i64, scratch_operands = 7 : i64, tpu.core_type = #tpu.core_type<sc_vector_subcore>, window_params = [{transform_indices = #map}, {transform_indices = #map}, {transform_indices = #map}]} {
    %mul3A = arith.constant 16 : i32
    %mul3A_0 = arith.muli %arg0, %mul3A : i32
    %add3A = arith.addi %mul3A_0, %arg1 : i32
    %shift_right_arithmetic3A = arith.constant 2 : i32
    %shift_right_arithmetic3A_1 = arith.shrsi %add3A, %shift_right_arithmetic3A : i32
    %and3A = arith.constant 3 : i32
    %and3A_2 = arith.andi %add3A, %and3A : i32
    %iota3A = tpu.iota {dimensions = array<i32: 0>} : vector<16xi32>
    %broadcast_in_dim3A = arith.constant 0 : i32
    %broadcast_in_dim3A_3 = vector.broadcast %broadcast_in_dim3A : i32 to vector<16xi32>
    %broadcast_in_dim3A_4 = arith.constant 0.000000e+00 : f32
    %broadcast_in_dim3A_5 = vector.broadcast %broadcast_in_dim3A_4 : f32 to vector<16xf32>
    %parallel_loop3A = arith.constant 0 : i32
    %parallel_loop3A_6 = arith.constant 256 : i32
    %parallel_loop3A_7 = arith.constant 1 : i32
    scf.for %parallel_loop3A_135 = %parallel_loop3A to %parallel_loop3A_6 step %parallel_loop3A_7  : i32 {
      %parallel_loop3A_136 = arith.index_cast %parallel_loop3A_135 : i32 to index
      %parallel_loop3A_137 = arith.constant 0 : index
      %parallel_loop3A_138 = tpu.vector_load %arg6[%parallel_loop3A_136, %parallel_loop3A_137] {strides = array<i32>} : memref<256x128xi32, #tpu.memory_space<vmem>>, vector<16xi32>,
      tpu.vector_store %arg6[%parallel_loop3A_136, %parallel_loop3A_137], %broadcast_in_dim3A_3 {strides = array<i32>} : memref<256x128xi32, #tpu.memory_space<vmem>>, vector<16xi32>,
      %parallel_loop3A_139 = arith.index_cast %parallel_loop3A_135 : i32 to index
      %parallel_loop3A_140 = arith.constant 0 : index
      %parallel_loop3A_141 = tpu.vector_load %arg7[%parallel_loop3A_139, %parallel_loop3A_140] {strides = array<i32>} : memref<256x128xf32, #tpu.memory_space<vmem>>, vector<16xf32>,
      tpu.vector_store %arg7[%parallel_loop3A_139, %parallel_loop3A_140], %broadcast_in_dim3A_5 {strides = array<i32>} : memref<256x128xf32, #tpu.memory_space<vmem>>, vector<16xf32>,
      %parallel_loop3A_142 = arith.index_cast %parallel_loop3A_135 : i32 to index
      %parallel_loop3A_143 = arith.constant 16 : index
      %parallel_loop3A_144 = tpu.vector_load %arg6[%parallel_loop3A_142, %parallel_loop3A_143] {strides = array<i32>} : memref<256x128xi32, #tpu.memory_space<vmem>>, vector<16xi32>,
      tpu.vector_store %arg6[%parallel_loop3A_142, %parallel_loop3A_143], %broadcast_in_dim3A_3 {strides = array<i32>} : memref<256x128xi32, #tpu.memory_space<vmem>>, vector<16xi32>,
      %parallel_loop3A_145 = arith.index_cast %parallel_loop3A_135 : i32 to index
      %parallel_loop3A_146 = arith.constant 16 : index
      %parallel_loop3A_147 = tpu.vector_load %arg7[%parallel_loop3A_145, %parallel_loop3A_146] {strides = array<i32>} : memref<256x128xf32, #tpu.memory_space<vmem>>, vector<16xf32>,
      tpu.vector_store %arg7[%parallel_loop3A_145, %parallel_loop3A_146], %broadcast_in_dim3A_5 {strides = array<i32>} : memref<256x128xf32, #tpu.memory_space<vmem>>, vector<16xf32>,
      %parallel_loop3A_148 = arith.index_cast %parallel_loop3A_135 : i32 to index
      %parallel_loop3A_149 = arith.constant 32 : index
      %parallel_loop3A_150 = tpu.vector_load %arg6[%parallel_loop3A_148, %parallel_loop3A_149] {strides = array<i32>} : memref<256x128xi32, #tpu.memory_space<vmem>>, vector<16xi32>,
      tpu.vector_store %arg6[%parallel_loop3A_148, %parallel_loop3A_149], %broadcast_in_dim3A_3 {strides = array<i32>} : memref<256x128xi32, #tpu.memory_space<vmem>>, vector<16xi32>,
      %parallel_loop3A_151 = arith.index_cast %parallel_loop3A_135 : i32 to index
      %parallel_loop3A_152 = arith.constant 32 : index
      %parallel_loop3A_153 = tpu.vector_load %arg7[%parallel_loop3A_151, %parallel_loop3A_152] {strides = array<i32>} : memref<256x128xf32, #tpu.memory_space<vmem>>, vector<16xf32>,
      tpu.vector_store %arg7[%parallel_loop3A_151, %parallel_loop3A_152], %broadcast_in_dim3A_5 {strides = array<i32>} : memref<256x128xf32, #tpu.memory_space<vmem>>, vector<16xf32>,
      %parallel_loop3A_154 = arith.index_cast %parallel_loop3A_135 : i32 to index
      %parallel_loop3A_155 = arith.constant 48 : index
      %parallel_loop3A_156 = tpu.vector_load %arg6[%parallel_loop3A_154, %parallel_loop3A_155] {strides = array<i32>} : memref<256x128xi32, #tpu.memory_space<vmem>>, vector<16xi32>,
      tpu.vector_store %arg6[%parallel_loop3A_154, %parallel_loop3A_155], %broadcast_in_dim3A_3 {strides = array<i32>} : memref<256x128xi32, #tpu.memory_space<vmem>>, vector<16xi32>,
      %parallel_loop3A_157 = arith.index_cast %parallel_loop3A_135 : i32 to index
      %parallel_loop3A_158 = arith.constant 48 : index
      %parallel_loop3A_159 = tpu.vector_load %arg7[%parallel_loop3A_157, %parallel_loop3A_158] {strides = array<i32>} : memref<256x128xf32, #tpu.memory_space<vmem>>, vector<16xf32>,
      tpu.vector_store %arg7[%parallel_loop3A_157, %parallel_loop3A_158], %broadcast_in_dim3A_5 {strides = array<i32>} : memref<256x128xf32, #tpu.memory_space<vmem>>, vector<16xf32>,
      %parallel_loop3A_160 = arith.index_cast %parallel_loop3A_135 : i32 to index
      %parallel_loop3A_161 = arith.constant 64 : index
      %parallel_loop3A_162 = tpu.vector_load %arg6[%parallel_loop3A_160, %parallel_loop3A_161] {strides = array<i32>} : memref<256x128xi32, #tpu.memory_space<vmem>>, vector<16xi32>,
      tpu.vector_store %arg6[%parallel_loop3A_160, %parallel_loop3A_161], %broadcast_in_dim3A_3 {strides = array<i32>} : memref<256x128xi32, #tpu.memory_space<vmem>>, vector<16xi32>,
      %parallel_loop3A_163 = arith.index_cast %parallel_loop3A_135 : i32 to index
      %parallel_loop3A_164 = arith.constant 64 : index
      %parallel_loop3A_165 = tpu.vector_load %arg7[%parallel_loop3A_163, %parallel_loop3A_164] {strides = array<i32>} : memref<256x128xf32, #tpu.memory_space<vmem>>, vector<16xf32>,
      tpu.vector_store %arg7[%parallel_loop3A_163, %parallel_loop3A_164], %broadcast_in_dim3A_5 {strides = array<i32>} : memref<256x128xf32, #tpu.memory_space<vmem>>, vector<16xf32>,
      %parallel_loop3A_166 = arith.index_cast %parallel_loop3A_135 : i32 to index
      %parallel_loop3A_167 = arith.constant 80 : index
      %parallel_loop3A_168 = tpu.vector_load %arg6[%parallel_loop3A_166, %parallel_loop3A_167] {strides = array<i32>} : memref<256x128xi32, #tpu.memory_space<vmem>>, vector<16xi32>,
      tpu.vector_store %arg6[%parallel_loop3A_166, %parallel_loop3A_167], %broadcast_in_dim3A_3 {strides = array<i32>} : memref<256x128xi32, #tpu.memory_space<vmem>>, vector<16xi32>,
      %parallel_loop3A_169 = arith.index_cast %parallel_loop3A_135 : i32 to index
      %parallel_loop3A_170 = arith.constant 80 : index
      %parallel_loop3A_171 = tpu.vector_load %arg7[%parallel_loop3A_169, %parallel_loop3A_170] {strides = array<i32>} : memref<256x128xf32, #tpu.memory_space<vmem>>, vector<16xf32>,
      tpu.vector_store %arg7[%parallel_loop3A_169, %parallel_loop3A_170], %broadcast_in_dim3A_5 {strides = array<i32>} : memref<256x128xf32, #tpu.memory_space<vmem>>, vector<16xf32>,
      %parallel_loop3A_172 = arith.index_cast %parallel_loop3A_135 : i32 to index
      %parallel_loop3A_173 = arith.constant 96 : index
      %parallel_loop3A_174 = tpu.vector_load %arg6[%parallel_loop3A_172, %parallel_loop3A_173] {strides = array<i32>} : memref<256x128xi32, #tpu.memory_space<vmem>>, vector<16xi32>,
      tpu.vector_store %arg6[%parallel_loop3A_172, %parallel_loop3A_173], %broadcast_in_dim3A_3 {strides = array<i32>} : memref<256x128xi32, #tpu.memory_space<vmem>>, vector<16xi32>,
      %parallel_loop3A_175 = arith.index_cast %parallel_loop3A_135 : i32 to index
      %parallel_loop3A_176 = arith.constant 96 : index
      %parallel_loop3A_177 = tpu.vector_load %arg7[%parallel_loop3A_175, %parallel_loop3A_176] {strides = array<i32>} : memref<256x128xf32, #tpu.memory_space<vmem>>, vector<16xf32>,
      tpu.vector_store %arg7[%parallel_loop3A_175, %parallel_loop3A_176], %broadcast_in_dim3A_5 {strides = array<i32>} : memref<256x128xf32, #tpu.memory_space<vmem>>, vector<16xf32>,
      %parallel_loop3A_178 = arith.index_cast %parallel_loop3A_135 : i32 to index
      %parallel_loop3A_179 = arith.constant 112 : index
      %parallel_loop3A_180 = tpu.vector_load %arg6[%parallel_loop3A_178, %parallel_loop3A_179] {strides = array<i32>} : memref<256x128xi32, #tpu.memory_space<vmem>>, vector<16xi32>,
      tpu.vector_store %arg6[%parallel_loop3A_178, %parallel_loop3A_179], %broadcast_in_dim3A_3 {strides = array<i32>} : memref<256x128xi32, #tpu.memory_space<vmem>>, vector<16xi32>,
      %parallel_loop3A_181 = arith.index_cast %parallel_loop3A_135 : i32 to index
      %parallel_loop3A_182 = arith.constant 112 : index
      %parallel_loop3A_183 = tpu.vector_load %arg7[%parallel_loop3A_181, %parallel_loop3A_182] {strides = array<i32>} : memref<256x128xf32, #tpu.memory_space<vmem>>, vector<16xf32>,
      tpu.vector_store %arg7[%parallel_loop3A_181, %parallel_loop3A_182], %broadcast_in_dim3A_5 {strides = array<i32>} : memref<256x128xf32, #tpu.memory_space<vmem>>, vector<16xf32>,
    } {sc.loop_unroll_factor = 4 : i64, sc.parallel_access}
    %eq3A = arith.constant 0 : i32
    %eq3A_8 = arith.cmpi eq, %arg1, %eq3A : i32
    %convert_element_type3A = arith.extui %eq3A_8 : i1 to i32
    %cond3A = arith.constant 0 : i32
    %cond3A_9 = arith.cmpi ne, %convert_element_type3A, %cond3A : i32
    scf.if %cond3A_9 {
      "tpu.region"() ({
        %run_scoped3A = tpu.sem_alloc : memref<!tpu.dma_semaphore, #tpu.memory_space<semaphore_mem>>
        tpu.enqueue_dma source(%arg6 : memref<256x128xi32, #tpu.memory_space<vmem>>) target(%arg10 : memref<256x128xi32, #tpu.memory_space<vmem_shared>>) target_semaphore(%run_scoped3A : memref<!tpu.dma_semaphore, #tpu.memory_space<semaphore_mem>>)
        tpu.wait_dma2 semaphore(%run_scoped3A : memref<!tpu.dma_semaphore, #tpu.memory_space<semaphore_mem>>) src(%arg6 : memref<256x128xi32, #tpu.memory_space<vmem>>) dst(%arg10 : memref<256x128xi32, #tpu.memory_space<vmem_shared>>)
        tpu.yield
      }) : () -> ()
      "tpu.region"() ({
        %run_scoped3A = tpu.sem_alloc : memref<!tpu.dma_semaphore, #tpu.memory_space<semaphore_mem>>
        tpu.enqueue_dma source(%arg7 : memref<256x128xf32, #tpu.memory_space<vmem>>) target(%arg11 : memref<256x128xf32, #tpu.memory_space<vmem_shared>>) target_semaphore(%run_scoped3A : memref<!tpu.dma_semaphore, #tpu.memory_space<semaphore_mem>>)
        tpu.wait_dma2 semaphore(%run_scoped3A : memref<!tpu.dma_semaphore, #tpu.memory_space<semaphore_mem>>) src(%arg7 : memref<256x128xf32, #tpu.memory_space<vmem>>) dst(%arg11 : memref<256x128xf32, #tpu.memory_space<vmem_shared>>)
        tpu.yield
      }) : () -> ()
    } else {
    }
    %barrier3A = arith.constant 0 : index
    tpu.barrier barrier_id(%barrier3A)
    %broadcast_in_dim3A_10 = arith.constant 1 : i32
    %broadcast_in_dim3A_11 = vector.broadcast %broadcast_in_dim3A_10 : i32 to vector<16xi32>
    %mul3A_12 = arith.constant 128 : i32
    %mul3A_13 = arith.muli %and3A_2, %mul3A_12 : i32
    %add3A_14 = arith.constant 0 : i32
    %add3A_15 = arith.addi %mul3A_13, %add3A_14 : i32
    "tpu.region"() ({
      %run_scoped3A = tpu.sem_alloc : memref<!tpu.dma_semaphore, #tpu.memory_space<semaphore_mem>>
      %dma_start3A = arith.constant 0 : i32
      %dma_start3A_135 = tpu.memref_slice %arg2[%shift_right_arithmetic3A_1, %add3A_15, %dma_start3A] : memref<8x512x512xi32, #tpu.memory_space<hbm>> -> memref<1x64x512xi32, #tpu.memory_space<hbm>>
      %dma_start3A_136 = tpu.memref_squeeze %dma_start3A_135 : memref<1x64x512xi32, #tpu.memory_space<hbm>> -> memref<64x512xi32, #tpu.memory_space<hbm>>
      %dma_start3A_137 = arith.constant 0 : i32
      %dma_start3A_138 = tpu.memref_slice %arg2[%shift_right_arithmetic3A_1, %add3A_15, %dma_start3A_137] : memref<8x512x512xi32, #tpu.memory_space<hbm>> -> memref<1x64x512xi32, #tpu.memory_space<hbm>>
      %dma_start3A_139 = tpu.memref_squeeze %dma_start3A_138 : memref<1x64x512xi32, #tpu.memory_space<hbm>> -> memref<64x512xi32, #tpu.memory_space<hbm>>
      tpu.enqueue_dma source(%dma_start3A_139 : memref<64x512xi32, #tpu.memory_space<hbm>>) target(%arg5 : memref<64x512xi32, #tpu.memory_space<vmem>>) target_semaphore(%run_scoped3A : memref<!tpu.dma_semaphore, #tpu.memory_space<semaphore_mem>>)
      %dma_wait3A = arith.constant 0 : i32
      %dma_wait3A_140 = tpu.memref_slice %arg2[%shift_right_arithmetic3A_1, %add3A_15, %dma_wait3A] : memref<8x512x512xi32, #tpu.memory_space<hbm>> -> memref<1x64x512xi32, #tpu.memory_space<hbm>>
      %dma_wait3A_141 = tpu.memref_squeeze %dma_wait3A_140 : memref<1x64x512xi32, #tpu.memory_space<hbm>> -> memref<64x512xi32, #tpu.memory_space<hbm>>
      %dma_wait3A_142 = arith.constant 0 : i32
      %dma_wait3A_143 = tpu.memref_slice %arg2[%shift_right_arithmetic3A_1, %add3A_15, %dma_wait3A_142] : memref<8x512x512xi32, #tpu.memory_space<hbm>> -> memref<1x64x512xi32, #tpu.memory_space<hbm>>
      %dma_wait3A_144 = tpu.memref_squeeze %dma_wait3A_143 : memref<1x64x512xi32, #tpu.memory_space<hbm>> -> memref<64x512xi32, #tpu.memory_space<hbm>>
      tpu.wait_dma2 semaphore(%run_scoped3A : memref<!tpu.dma_semaphore, #tpu.memory_space<semaphore_mem>>) src(%dma_wait3A_144 : memref<64x512xi32, #tpu.memory_space<hbm>>) dst(%arg5 : memref<64x512xi32, #tpu.memory_space<vmem>>)
      tpu.yield
    }) : () -> ()
    %parallel_loop3A_16 = arith.constant 0 : i32
    %parallel_loop3A_17 = arith.constant 2048 : i32
    %parallel_loop3A_18 = arith.constant 1 : i32
    scf.for %parallel_loop3A_135 = %parallel_loop3A_16 to %parallel_loop3A_17 step %parallel_loop3A_18  : i32 {
      %parallel_loop3A_136 = arith.constant 5 : i32
      %parallel_loop3A_137 = arith.shrui %parallel_loop3A_135, %parallel_loop3A_136 : i32
      %parallel_loop3A_138 = arith.constant 31 : i32
      %parallel_loop3A_139 = arith.andi %parallel_loop3A_135, %parallel_loop3A_138 : i32
      %parallel_loop3A_140 = arith.constant 16 : i32
      %parallel_loop3A_141 = arith.muli %parallel_loop3A_139, %parallel_loop3A_140 : i32
      %parallel_loop3A_142 = arith.index_cast %parallel_loop3A_137 : i32 to index
      %parallel_loop3A_143 = arith.index_cast %parallel_loop3A_141 : i32 to index
      %parallel_loop3A_144 = tpu.vector_load %arg5[%parallel_loop3A_142, %parallel_loop3A_143] {strides = array<i32>} : memref<64x512xi32, #tpu.memory_space<vmem>>, vector<16xi32>,
      %parallel_loop3A_145 = arith.constant 16 : i32
      %parallel_loop3A_146 = vector.broadcast %parallel_loop3A_145 : i32 to vector<16xi32>
      %parallel_loop3A_147 = arith.shrui %parallel_loop3A_144, %parallel_loop3A_146 : vector<16xi32>
      %parallel_loop3A_148 = arith.constant 7 : i32
      %parallel_loop3A_149 = vector.broadcast %parallel_loop3A_148 : i32 to vector<16xi32>
      %parallel_loop3A_150 = arith.shrui %parallel_loop3A_147, %parallel_loop3A_149 : vector<16xi32>
      %parallel_loop3A_151 = arith.constant 127 : i32
      %parallel_loop3A_152 = vector.broadcast %parallel_loop3A_151 : i32 to vector<16xi32>
      %parallel_loop3A_153 = arith.andi %parallel_loop3A_147, %parallel_loop3A_152 : vector<16xi32>
      tpu.vector_store_idx %arg6[%parallel_loop3A_150, %parallel_loop3A_153], %broadcast_in_dim3A_11 {add = true} : memref<256x128xi32, #tpu.memory_space<vmem>>[vector<16xi32>, vector<16xi32>], vector<16xi32>,
      %parallel_loop3A_154 = vector.bitcast %parallel_loop3A_144 : vector<16xi32> to vector<16xf32>
      tpu.vector_store_idx %arg7[%parallel_loop3A_150, %parallel_loop3A_153], %parallel_loop3A_154 {add = true} : memref<256x128xf32, #tpu.memory_space<vmem>>[vector<16xi32>, vector<16xi32>], vector<16xf32>,
    } {sc.loop_unroll_factor = 8 : i64, sc.parallel_access}
    %mul3A_19 = arith.constant 128 : i32
    %mul3A_20 = arith.muli %and3A_2, %mul3A_19 : i32
    %add3A_21 = arith.constant 64 : i32
    %add3A_22 = arith.addi %mul3A_20, %add3A_21 : i32
    "tpu.region"() ({
      %run_scoped3A = tpu.sem_alloc : memref<!tpu.dma_semaphore, #tpu.memory_space<semaphore_mem>>
      %dma_start3A = arith.constant 0 : i32
      %dma_start3A_135 = tpu.memref_slice %arg2[%shift_right_arithmetic3A_1, %add3A_22, %dma_start3A] : memref<8x512x512xi32, #tpu.memory_space<hbm>> -> memref<1x64x512xi32, #tpu.memory_space<hbm>>
      %dma_start3A_136 = tpu.memref_squeeze %dma_start3A_135 : memref<1x64x512xi32, #tpu.memory_space<hbm>> -> memref<64x512xi32, #tpu.memory_space<hbm>>
      %dma_start3A_137 = arith.constant 0 : i32
      %dma_start3A_138 = tpu.memref_slice %arg2[%shift_right_arithmetic3A_1, %add3A_22, %dma_start3A_137] : memref<8x512x512xi32, #tpu.memory_space<hbm>> -> memref<1x64x512xi32, #tpu.memory_space<hbm>>
      %dma_start3A_139 = tpu.memref_squeeze %dma_start3A_138 : memref<1x64x512xi32, #tpu.memory_space<hbm>> -> memref<64x512xi32, #tpu.memory_space<hbm>>
      tpu.enqueue_dma source(%dma_start3A_139 : memref<64x512xi32, #tpu.memory_space<hbm>>) target(%arg5 : memref<64x512xi32, #tpu.memory_space<vmem>>) target_semaphore(%run_scoped3A : memref<!tpu.dma_semaphore, #tpu.memory_space<semaphore_mem>>)
      %dma_wait3A = arith.constant 0 : i32
      %dma_wait3A_140 = tpu.memref_slice %arg2[%shift_right_arithmetic3A_1, %add3A_22, %dma_wait3A] : memref<8x512x512xi32, #tpu.memory_space<hbm>> -> memref<1x64x512xi32, #tpu.memory_space<hbm>>
      %dma_wait3A_141 = tpu.memref_squeeze %dma_wait3A_140 : memref<1x64x512xi32, #tpu.memory_space<hbm>> -> memref<64x512xi32, #tpu.memory_space<hbm>>
      %dma_wait3A_142 = arith.constant 0 : i32
      %dma_wait3A_143 = tpu.memref_slice %arg2[%shift_right_arithmetic3A_1, %add3A_22, %dma_wait3A_142] : memref<8x512x512xi32, #tpu.memory_space<hbm>> -> memref<1x64x512xi32, #tpu.memory_space<hbm>>
      %dma_wait3A_144 = tpu.memref_squeeze %dma_wait3A_143 : memref<1x64x512xi32, #tpu.memory_space<hbm>> -> memref<64x512xi32, #tpu.memory_space<hbm>>
      tpu.wait_dma2 semaphore(%run_scoped3A : memref<!tpu.dma_semaphore, #tpu.memory_space<semaphore_mem>>) src(%dma_wait3A_144 : memref<64x512xi32, #tpu.memory_space<hbm>>) dst(%arg5 : memref<64x512xi32, #tpu.memory_space<vmem>>)
      tpu.yield
    }) : () -> ()
    %parallel_loop3A_23 = arith.constant 0 : i32
    %parallel_loop3A_24 = arith.constant 2048 : i32
    %parallel_loop3A_25 = arith.constant 1 : i32
    scf.for %parallel_loop3A_135 = %parallel_loop3A_23 to %parallel_loop3A_24 step %parallel_loop3A_25  : i32 {
      %parallel_loop3A_136 = arith.constant 5 : i32
      %parallel_loop3A_137 = arith.shrui %parallel_loop3A_135, %parallel_loop3A_136 : i32
      %parallel_loop3A_138 = arith.constant 31 : i32
      %parallel_loop3A_139 = arith.andi %parallel_loop3A_135, %parallel_loop3A_138 : i32
      %parallel_loop3A_140 = arith.constant 16 : i32
      %parallel_loop3A_141 = arith.muli %parallel_loop3A_139, %parallel_loop3A_140 : i32
      %parallel_loop3A_142 = arith.index_cast %parallel_loop3A_137 : i32 to index
      %parallel_loop3A_143 = arith.index_cast %parallel_loop3A_141 : i32 to index
      %parallel_loop3A_144 = tpu.vector_load %arg5[%parallel_loop3A_142, %parallel_loop3A_143] {strides = array<i32>} : memref<64x512xi32, #tpu.memory_space<vmem>>, vector<16xi32>,
      %parallel_loop3A_145 = arith.constant 16 : i32
      %parallel_loop3A_146 = vector.broadcast %parallel_loop3A_145 : i32 to vector<16xi32>
      %parallel_loop3A_147 = arith.shrui %parallel_loop3A_144, %parallel_loop3A_146 : vector<16xi32>
      %parallel_loop3A_148 = arith.constant 7 : i32
      %parallel_loop3A_149 = vector.broadcast %parallel_loop3A_148 : i32 to vector<16xi32>
      %parallel_loop3A_150 = arith.shrui %parallel_loop3A_147, %parallel_loop3A_149 : vector<16xi32>
      %parallel_loop3A_151 = arith.constant 127 : i32
      %parallel_loop3A_152 = vector.broadcast %parallel_loop3A_151 : i32 to vector<16xi32>
      %parallel_loop3A_153 = arith.andi %parallel_loop3A_147, %parallel_loop3A_152 : vector<16xi32>
      tpu.vector_store_idx %arg6[%parallel_loop3A_150, %parallel_loop3A_153], %broadcast_in_dim3A_11 {add = true} : memref<256x128xi32, #tpu.memory_space<vmem>>[vector<16xi32>, vector<16xi32>], vector<16xi32>,
      %parallel_loop3A_154 = vector.bitcast %parallel_loop3A_144 : vector<16xi32> to vector<16xf32>
      tpu.vector_store_idx %arg7[%parallel_loop3A_150, %parallel_loop3A_153], %parallel_loop3A_154 {add = true} : memref<256x128xf32, #tpu.memory_space<vmem>>[vector<16xi32>, vector<16xi32>], vector<16xf32>,
    } {sc.loop_unroll_factor = 8 : i64, sc.parallel_access}
    %add3A_26 = arith.constant 0 : i32
    %add3A_27 = vector.broadcast %add3A_26 : i32 to vector<16xi32>
    %add3A_28 = arith.addi %iota3A, %add3A_27 : vector<16xi32>
    %swap3A = arith.constant 0 : index
    %swap3A_29 = tpu.vector_load %arg8[%swap3A] {strides = array<i32>} : memref<128xi32, #tpu.memory_space<vmem>>, vector<16xi32>,
    tpu.vector_store %arg8[%swap3A], %add3A_28 {strides = array<i32>} : memref<128xi32, #tpu.memory_space<vmem>>, vector<16xi32>,
    %add3A_30 = arith.constant 128 : i32
    %add3A_31 = vector.broadcast %add3A_30 : i32 to vector<16xi32>
    %add3A_32 = arith.addi %iota3A, %add3A_31 : vector<16xi32>
    %add3A_33 = arith.constant 0 : i32
    %add3A_34 = vector.broadcast %add3A_33 : i32 to vector<16xi32>
    %add3A_35 = arith.addi %add3A_32, %add3A_34 : vector<16xi32>
    %swap3A_36 = arith.constant 0 : index
    %swap3A_37 = tpu.vector_load %arg9[%swap3A_36] {strides = array<i32>} : memref<128xi32, #tpu.memory_space<vmem>>, vector<16xi32>,
    tpu.vector_store %arg9[%swap3A_36], %add3A_35 {strides = array<i32>} : memref<128xi32, #tpu.memory_space<vmem>>, vector<16xi32>,
    %add3A_38 = arith.constant 16 : i32
    %add3A_39 = vector.broadcast %add3A_38 : i32 to vector<16xi32>
    %add3A_40 = arith.addi %iota3A, %add3A_39 : vector<16xi32>
    %swap3A_41 = arith.constant 16 : index
    %swap3A_42 = tpu.vector_load %arg8[%swap3A_41] {strides = array<i32>} : memref<128xi32, #tpu.memory_space<vmem>>, vector<16xi32>,
    tpu.vector_store %arg8[%swap3A_41], %add3A_40 {strides = array<i32>} : memref<128xi32, #tpu.memory_space<vmem>>, vector<16xi32>,
    %add3A_43 = arith.constant 128 : i32
    %add3A_44 = vector.broadcast %add3A_43 : i32 to vector<16xi32>
    %add3A_45 = arith.addi %iota3A, %add3A_44 : vector<16xi32>
    %add3A_46 = arith.constant 16 : i32
    %add3A_47 = vector.broadcast %add3A_46 : i32 to vector<16xi32>
    %add3A_48 = arith.addi %add3A_45, %add3A_47 : vector<16xi32>
    %swap3A_49 = arith.constant 16 : index
    %swap3A_50 = tpu.vector_load %arg9[%swap3A_49] {strides = array<i32>} : memref<128xi32, #tpu.memory_space<vmem>>, vector<16xi32>,
    tpu.vector_store %arg9[%swap3A_49], %add3A_48 {strides = array<i32>} : memref<128xi32, #tpu.memory_space<vmem>>, vector<16xi32>,
    %add3A_51 = arith.constant 32 : i32
    %add3A_52 = vector.broadcast %add3A_51 : i32 to vector<16xi32>
    %add3A_53 = arith.addi %iota3A, %add3A_52 : vector<16xi32>
    %swap3A_54 = arith.constant 32 : index
    %swap3A_55 = tpu.vector_load %arg8[%swap3A_54] {strides = array<i32>} : memref<128xi32, #tpu.memory_space<vmem>>, vector<16xi32>,
    tpu.vector_store %arg8[%swap3A_54], %add3A_53 {strides = array<i32>} : memref<128xi32, #tpu.memory_space<vmem>>, vector<16xi32>,
    %add3A_56 = arith.constant 128 : i32
    %add3A_57 = vector.broadcast %add3A_56 : i32 to vector<16xi32>
    %add3A_58 = arith.addi %iota3A, %add3A_57 : vector<16xi32>
    %add3A_59 = arith.constant 32 : i32
    %add3A_60 = vector.broadcast %add3A_59 : i32 to vector<16xi32>
    %add3A_61 = arith.addi %add3A_58, %add3A_60 : vector<16xi32>
    %swap3A_62 = arith.constant 32 : index
    %swap3A_63 = tpu.vector_load %arg9[%swap3A_62] {strides = array<i32>} : memref<128xi32, #tpu.memory_space<vmem>>, vector<16xi32>,
    tpu.vector_store %arg9[%swap3A_62], %add3A_61 {strides = array<i32>} : memref<128xi32, #tpu.memory_space<vmem>>, vector<16xi32>,
    %add3A_64 = arith.constant 48 : i32
    %add3A_65 = vector.broadcast %add3A_64 : i32 to vector<16xi32>
    %add3A_66 = arith.addi %iota3A, %add3A_65 : vector<16xi32>
    %swap3A_67 = arith.constant 48 : index
    %swap3A_68 = tpu.vector_load %arg8[%swap3A_67] {strides = array<i32>} : memref<128xi32, #tpu.memory_space<vmem>>, vector<16xi32>,
    tpu.vector_store %arg8[%swap3A_67], %add3A_66 {strides = array<i32>} : memref<128xi32, #tpu.memory_space<vmem>>, vector<16xi32>,
    %add3A_69 = arith.constant 128 : i32
    %add3A_70 = vector.broadcast %add3A_69 : i32 to vector<16xi32>
    %add3A_71 = arith.addi %iota3A, %add3A_70 : vector<16xi32>
    %add3A_72 = arith.constant 48 : i32
    %add3A_73 = vector.broadcast %add3A_72 : i32 to vector<16xi32>
    %add3A_74 = arith.addi %add3A_71, %add3A_73 : vector<16xi32>
    %swap3A_75 = arith.constant 48 : index
    %swap3A_76 = tpu.vector_load %arg9[%swap3A_75] {strides = array<i32>} : memref<128xi32, #tpu.memory_space<vmem>>, vector<16xi32>,
    tpu.vector_store %arg9[%swap3A_75], %add3A_74 {strides = array<i32>} : memref<128xi32, #tpu.memory_space<vmem>>, vector<16xi32>,
    %add3A_77 = arith.constant 64 : i32
    %add3A_78 = vector.broadcast %add3A_77 : i32 to vector<16xi32>
    %add3A_79 = arith.addi %iota3A, %add3A_78 : vector<16xi32>
    %swap3A_80 = arith.constant 64 : index
    %swap3A_81 = tpu.vector_load %arg8[%swap3A_80] {strides = array<i32>} : memref<128xi32, #tpu.memory_space<vmem>>, vector<16xi32>,
    tpu.vector_store %arg8[%swap3A_80], %add3A_79 {strides = array<i32>} : memref<128xi32, #tpu.memory_space<vmem>>, vector<16xi32>,
    %add3A_82 = arith.constant 128 : i32
    %add3A_83 = vector.broadcast %add3A_82 : i32 to vector<16xi32>
    %add3A_84 = arith.addi %iota3A, %add3A_83 : vector<16xi32>
    %add3A_85 = arith.constant 64 : i32
    %add3A_86 = vector.broadcast %add3A_85 : i32 to vector<16xi32>
    %add3A_87 = arith.addi %add3A_84, %add3A_86 : vector<16xi32>
    %swap3A_88 = arith.constant 64 : index
    %swap3A_89 = tpu.vector_load %arg9[%swap3A_88] {strides = array<i32>} : memref<128xi32, #tpu.memory_space<vmem>>, vector<16xi32>,
    tpu.vector_store %arg9[%swap3A_88], %add3A_87 {strides = array<i32>} : memref<128xi32, #tpu.memory_space<vmem>>, vector<16xi32>,
    %add3A_90 = arith.constant 80 : i32
    %add3A_91 = vector.broadcast %add3A_90 : i32 to vector<16xi32>
    %add3A_92 = arith.addi %iota3A, %add3A_91 : vector<16xi32>
    %swap3A_93 = arith.constant 80 : index
    %swap3A_94 = tpu.vector_load %arg8[%swap3A_93] {strides = array<i32>} : memref<128xi32, #tpu.memory_space<vmem>>, vector<16xi32>,
    tpu.vector_store %arg8[%swap3A_93], %add3A_92 {strides = array<i32>} : memref<128xi32, #tpu.memory_space<vmem>>, vector<16xi32>,
    %add3A_95 = arith.constant 128 : i32
    %add3A_96 = vector.broadcast %add3A_95 : i32 to vector<16xi32>
    %add3A_97 = arith.addi %iota3A, %add3A_96 : vector<16xi32>
    %add3A_98 = arith.constant 80 : i32
    %add3A_99 = vector.broadcast %add3A_98 : i32 to vector<16xi32>
    %add3A_100 = arith.addi %add3A_97, %add3A_99 : vector<16xi32>
    %swap3A_101 = arith.constant 80 : index
    %swap3A_102 = tpu.vector_load %arg9[%swap3A_101] {strides = array<i32>} : memref<128xi32, #tpu.memory_space<vmem>>, vector<16xi32>,
    tpu.vector_store %arg9[%swap3A_101], %add3A_100 {strides = array<i32>} : memref<128xi32, #tpu.memory_space<vmem>>, vector<16xi32>,
    %add3A_103 = arith.constant 96 : i32
    %add3A_104 = vector.broadcast %add3A_103 : i32 to vector<16xi32>
    %add3A_105 = arith.addi %iota3A, %add3A_104 : vector<16xi32>
    %swap3A_106 = arith.constant 96 : index
    %swap3A_107 = tpu.vector_load %arg8[%swap3A_106] {strides = array<i32>} : memref<128xi32, #tpu.memory_space<vmem>>, vector<16xi32>,
    tpu.vector_store %arg8[%swap3A_106], %add3A_105 {strides = array<i32>} : memref<128xi32, #tpu.memory_space<vmem>>, vector<16xi32>,
    %add3A_108 = arith.constant 128 : i32
    %add3A_109 = vector.broadcast %add3A_108 : i32 to vector<16xi32>
    %add3A_110 = arith.addi %iota3A, %add3A_109 : vector<16xi32>
    %add3A_111 = arith.constant 96 : i32
    %add3A_112 = vector.broadcast %add3A_111 : i32 to vector<16xi32>
    %add3A_113 = arith.addi %add3A_110, %add3A_112 : vector<16xi32>
    %swap3A_114 = arith.constant 96 : index
    %swap3A_115 = tpu.vector_load %arg9[%swap3A_114] {strides = array<i32>} : memref<128xi32, #tpu.memory_space<vmem>>, vector<16xi32>,
    tpu.vector_store %arg9[%swap3A_114], %add3A_113 {strides = array<i32>} : memref<128xi32, #tpu.memory_space<vmem>>, vector<16xi32>,
    %add3A_116 = arith.constant 112 : i32
    %add3A_117 = vector.broadcast %add3A_116 : i32 to vector<16xi32>
    %add3A_118 = arith.addi %iota3A, %add3A_117 : vector<16xi32>
    %swap3A_119 = arith.constant 112 : index
    %swap3A_120 = tpu.vector_load %arg8[%swap3A_119] {strides = array<i32>} : memref<128xi32, #tpu.memory_space<vmem>>, vector<16xi32>,
    tpu.vector_store %arg8[%swap3A_119], %add3A_118 {strides = array<i32>} : memref<128xi32, #tpu.memory_space<vmem>>, vector<16xi32>,
    %add3A_121 = arith.constant 128 : i32
    %add3A_122 = vector.broadcast %add3A_121 : i32 to vector<16xi32>
    %add3A_123 = arith.addi %iota3A, %add3A_122 : vector<16xi32>
    %add3A_124 = arith.constant 112 : i32
    %add3A_125 = vector.broadcast %add3A_124 : i32 to vector<16xi32>
    %add3A_126 = arith.addi %add3A_123, %add3A_125 : vector<16xi32>
    %swap3A_127 = arith.constant 112 : index
    %swap3A_128 = tpu.vector_load %arg9[%swap3A_127] {strides = array<i32>} : memref<128xi32, #tpu.memory_space<vmem>>, vector<16xi32>,
    tpu.vector_store %arg9[%swap3A_127], %add3A_126 {strides = array<i32>} : memref<128xi32, #tpu.memory_space<vmem>>, vector<16xi32>,
    "tpu.region"() ({
      %run_scoped3A = tpu.sem_alloc : memref<!tpu.dma_semaphore, #tpu.memory_space<semaphore_mem>>
      %dma_start3A = arith.constant 0 : i32
      %dma_start3A_135 = arith.constant 0 : i32
      %dma_start3A_136 = tpu.memref_slice %arg6[%dma_start3A, %dma_start3A_135] : memref<256x128xi32, #tpu.memory_space<vmem>> -> memref<128x128xi32, #tpu.memory_space<vmem>>
      %dma_start3A_137 = arith.constant 0 : i32
      %dma_start3A_138 = arith.constant 0 : i32
      %dma_start3A_139 = tpu.memref_slice %arg10[%dma_start3A_137, %dma_start3A_138] : memref<256x128xi32, #tpu.memory_space<vmem_shared>> -> memref<256x128xi32, #tpu.memory_space<vmem_shared>>
      tpu.enqueue_indirect_dma source(%dma_start3A_136 : memref<128x128xi32, #tpu.memory_space<vmem>>) target(%dma_start3A_139 : memref<256x128xi32, #tpu.memory_space<vmem_shared>>) offsets(%arg8 : memref<128xi32, #tpu.memory_space<vmem>>) semaphore(%run_scoped3A : memref<!tpu.dma_semaphore, #tpu.memory_space<semaphore_mem>>) {add = true}
      %dma_wait3A = arith.constant 0 : i32
      %dma_wait3A_140 = arith.constant 0 : i32
      %dma_wait3A_141 = tpu.memref_slice %arg6[%dma_wait3A, %dma_wait3A_140] : memref<256x128xi32, #tpu.memory_space<vmem>> -> memref<128x128xi32, #tpu.memory_space<vmem>>
      %dma_wait3A_142 = arith.constant 0 : i32
      %dma_wait3A_143 = arith.constant 0 : i32
      %dma_wait3A_144 = tpu.memref_slice %arg10[%dma_wait3A_142, %dma_wait3A_143] : memref<256x128xi32, #tpu.memory_space<vmem_shared>> -> memref<256x128xi32, #tpu.memory_space<vmem_shared>>
      tpu.wait_indirect_dma semaphore(%run_scoped3A : memref<!tpu.dma_semaphore, #tpu.memory_space<semaphore_mem>>) src(%dma_wait3A_141 : memref<128x128xi32, #tpu.memory_space<vmem>>) dst(%dma_wait3A_144 : memref<256x128xi32, #tpu.memory_space<vmem_shared>>)
      tpu.yield
    }) : () -> ()
    "tpu.region"() ({
      %run_scoped3A = tpu.sem_alloc : memref<!tpu.dma_semaphore, #tpu.memory_space<semaphore_mem>>
      %dma_start3A = arith.constant 128 : i32
      %dma_start3A_135 = arith.constant 0 : i32
      %dma_start3A_136 = tpu.memref_slice %arg6[%dma_start3A, %dma_start3A_135] : memref<256x128xi32, #tpu.memory_space<vmem>> -> memref<128x128xi32, #tpu.memory_space<vmem>>
      %dma_start3A_137 = arith.constant 0 : i32
      %dma_start3A_138 = arith.constant 0 : i32
      %dma_start3A_139 = tpu.memref_slice %arg10[%dma_start3A_137, %dma_start3A_138] : memref<256x128xi32, #tpu.memory_space<vmem_shared>> -> memref<256x128xi32, #tpu.memory_space<vmem_shared>>
      tpu.enqueue_indirect_dma source(%dma_start3A_136 : memref<128x128xi32, #tpu.memory_space<vmem>>) target(%dma_start3A_139 : memref<256x128xi32, #tpu.memory_space<vmem_shared>>) offsets(%arg9 : memref<128xi32, #tpu.memory_space<vmem>>) semaphore(%run_scoped3A : memref<!tpu.dma_semaphore, #tpu.memory_space<semaphore_mem>>) {add = true}
      %dma_wait3A = arith.constant 128 : i32
      %dma_wait3A_140 = arith.constant 0 : i32
      %dma_wait3A_141 = tpu.memref_slice %arg6[%dma_wait3A, %dma_wait3A_140] : memref<256x128xi32, #tpu.memory_space<vmem>> -> memref<128x128xi32, #tpu.memory_space<vmem>>
      %dma_wait3A_142 = arith.constant 0 : i32
      %dma_wait3A_143 = arith.constant 0 : i32
      %dma_wait3A_144 = tpu.memref_slice %arg10[%dma_wait3A_142, %dma_wait3A_143] : memref<256x128xi32, #tpu.memory_space<vmem_shared>> -> memref<256x128xi32, #tpu.memory_space<vmem_shared>>
      tpu.wait_indirect_dma semaphore(%run_scoped3A : memref<!tpu.dma_semaphore, #tpu.memory_space<semaphore_mem>>) src(%dma_wait3A_141 : memref<128x128xi32, #tpu.memory_space<vmem>>) dst(%dma_wait3A_144 : memref<256x128xi32, #tpu.memory_space<vmem_shared>>)
      tpu.yield
    }) : () -> ()
    "tpu.region"() ({
      %run_scoped3A = tpu.sem_alloc : memref<!tpu.dma_semaphore, #tpu.memory_space<semaphore_mem>>
      %dma_start3A = arith.constant 0 : i32
      %dma_start3A_135 = arith.constant 0 : i32
      %dma_start3A_136 = tpu.memref_slice %arg7[%dma_start3A, %dma_start3A_135] : memref<256x128xf32, #tpu.memory_space<vmem>> -> memref<128x128xf32, #tpu.memory_space<vmem>>
      %dma_start3A_137 = arith.constant 0 : i32
      %dma_start3A_138 = arith.constant 0 : i32
      %dma_start3A_139 = tpu.memref_slice %arg11[%dma_start3A_137, %dma_start3A_138] : memref<256x128xf32, #tpu.memory_space<vmem_shared>> -> memref<256x128xf32, #tpu.memory_space<vmem_shared>>
      tpu.enqueue_indirect_dma source(%dma_start3A_136 : memref<128x128xf32, #tpu.memory_space<vmem>>) target(%dma_start3A_139 : memref<256x128xf32, #tpu.memory_space<vmem_shared>>) offsets(%arg8 : memref<128xi32, #tpu.memory_space<vmem>>) semaphore(%run_scoped3A : memref<!tpu.dma_semaphore, #tpu.memory_space<semaphore_mem>>) {add = true}
      %dma_wait3A = arith.constant 0 : i32
      %dma_wait3A_140 = arith.constant 0 : i32
      %dma_wait3A_141 = tpu.memref_slice %arg7[%dma_wait3A, %dma_wait3A_140] : memref<256x128xf32, #tpu.memory_space<vmem>> -> memref<128x128xf32, #tpu.memory_space<vmem>>
      %dma_wait3A_142 = arith.constant 0 : i32
      %dma_wait3A_143 = arith.constant 0 : i32
      %dma_wait3A_144 = tpu.memref_slice %arg11[%dma_wait3A_142, %dma_wait3A_143] : memref<256x128xf32, #tpu.memory_space<vmem_shared>> -> memref<256x128xf32, #tpu.memory_space<vmem_shared>>
      tpu.wait_indirect_dma semaphore(%run_scoped3A : memref<!tpu.dma_semaphore, #tpu.memory_space<semaphore_mem>>) src(%dma_wait3A_141 : memref<128x128xf32, #tpu.memory_space<vmem>>) dst(%dma_wait3A_144 : memref<256x128xf32, #tpu.memory_space<vmem_shared>>)
      tpu.yield
    }) : () -> ()
    "tpu.region"() ({
      %run_scoped3A = tpu.sem_alloc : memref<!tpu.dma_semaphore, #tpu.memory_space<semaphore_mem>>
      %dma_start3A = arith.constant 128 : i32
      %dma_start3A_135 = arith.constant 0 : i32
      %dma_start3A_136 = tpu.memref_slice %arg7[%dma_start3A, %dma_start3A_135] : memref<256x128xf32, #tpu.memory_space<vmem>> -> memref<128x128xf32, #tpu.memory_space<vmem>>
      %dma_start3A_137 = arith.constant 0 : i32
      %dma_start3A_138 = arith.constant 0 : i32
      %dma_start3A_139 = tpu.memref_slice %arg11[%dma_start3A_137, %dma_start3A_138] : memref<256x128xf32, #tpu.memory_space<vmem_shared>> -> memref<256x128xf32, #tpu.memory_space<vmem_shared>>
      tpu.enqueue_indirect_dma source(%dma_start3A_136 : memref<128x128xf32, #tpu.memory_space<vmem>>) target(%dma_start3A_139 : memref<256x128xf32, #tpu.memory_space<vmem_shared>>) offsets(%arg9 : memref<128xi32, #tpu.memory_space<vmem>>) semaphore(%run_scoped3A : memref<!tpu.dma_semaphore, #tpu.memory_space<semaphore_mem>>) {add = true}
      %dma_wait3A = arith.constant 128 : i32
      %dma_wait3A_140 = arith.constant 0 : i32
      %dma_wait3A_141 = tpu.memref_slice %arg7[%dma_wait3A, %dma_wait3A_140] : memref<256x128xf32, #tpu.memory_space<vmem>> -> memref<128x128xf32, #tpu.memory_space<vmem>>
      %dma_wait3A_142 = arith.constant 0 : i32
      %dma_wait3A_143 = arith.constant 0 : i32
      %dma_wait3A_144 = tpu.memref_slice %arg11[%dma_wait3A_142, %dma_wait3A_143] : memref<256x128xf32, #tpu.memory_space<vmem_shared>> -> memref<256x128xf32, #tpu.memory_space<vmem_shared>>
      tpu.wait_indirect_dma semaphore(%run_scoped3A : memref<!tpu.dma_semaphore, #tpu.memory_space<semaphore_mem>>) src(%dma_wait3A_141 : memref<128x128xf32, #tpu.memory_space<vmem>>) dst(%dma_wait3A_144 : memref<256x128xf32, #tpu.memory_space<vmem_shared>>)
      tpu.yield
    }) : () -> ()
    %barrier3A_129 = arith.constant 0 : index
    tpu.barrier barrier_id(%barrier3A_129)
    %eq3A_130 = arith.constant 0 : i32
    %eq3A_131 = arith.cmpi eq, %arg1, %eq3A_130 : i32
    %convert_element_type3A_132 = arith.extui %eq3A_131 : i1 to i32
    %cond3A_133 = arith.constant 0 : i32
    %cond3A_134 = arith.cmpi ne, %convert_element_type3A_132, %cond3A_133 : i32
    scf.if %cond3A_134 {
      "tpu.region"() ({
        %run_scoped3A = tpu.sem_alloc : memref<!tpu.dma_semaphore, #tpu.memory_space<semaphore_mem>>
        %dma_start3A = arith.constant 0 : i32
        %dma_start3A_135 = arith.constant 0 : i32
        %dma_start3A_136 = tpu.memref_slice %arg3[%arg0, %dma_start3A, %dma_start3A_135] : memref<2x256x128xi32, #tpu.memory_space<hbm>> -> memref<1x256x128xi32, #tpu.memory_space<hbm>>
        %dma_start3A_137 = tpu.memref_squeeze %dma_start3A_136 : memref<1x256x128xi32, #tpu.memory_space<hbm>> -> memref<256x128xi32, #tpu.memory_space<hbm>>
        tpu.enqueue_dma source(%arg10 : memref<256x128xi32, #tpu.memory_space<vmem_shared>>) target(%dma_start3A_137 : memref<256x128xi32, #tpu.memory_space<hbm>>) target_semaphore(%run_scoped3A : memref<!tpu.dma_semaphore, #tpu.memory_space<semaphore_mem>>)
        %dma_wait3A = arith.constant 0 : i32
        %dma_wait3A_138 = arith.constant 0 : i32
        %dma_wait3A_139 = tpu.memref_slice %arg3[%arg0, %dma_wait3A, %dma_wait3A_138] : memref<2x256x128xi32, #tpu.memory_space<hbm>> -> memref<1x256x128xi32, #tpu.memory_space<hbm>>
        %dma_wait3A_140 = tpu.memref_squeeze %dma_wait3A_139 : memref<1x256x128xi32, #tpu.memory_space<hbm>> -> memref<256x128xi32, #tpu.memory_space<hbm>>
        tpu.wait_dma2 semaphore(%run_scoped3A : memref<!tpu.dma_semaphore, #tpu.memory_space<semaphore_mem>>) src(%arg10 : memref<256x128xi32, #tpu.memory_space<vmem_shared>>) dst(%dma_wait3A_140 : memref<256x128xi32, #tpu.memory_space<hbm>>)
        tpu.yield
      }) : () -> ()
      "tpu.region"() ({
        %run_scoped3A = tpu.sem_alloc : memref<!tpu.dma_semaphore, #tpu.memory_space<semaphore_mem>>
        %dma_start3A = arith.constant 0 : i32
        %dma_start3A_135 = arith.constant 0 : i32
        %dma_start3A_136 = tpu.memref_slice %arg4[%arg0, %dma_start3A, %dma_start3A_135] : memref<2x256x128xf32, #tpu.memory_space<hbm>> -> memref<1x256x128xf32, #tpu.memory_space<hbm>>
        %dma_start3A_137 = tpu.memref_squeeze %dma_start3A_136 : memref<1x256x128xf32, #tpu.memory_space<hbm>> -> memref<256x128xf32, #tpu.memory_space<hbm>>
        tpu.enqueue_dma source(%arg11 : memref<256x128xf32, #tpu.memory_space<vmem_shared>>) target(%dma_start3A_137 : memref<256x128xf32, #tpu.memory_space<hbm>>) target_semaphore(%run_scoped3A : memref<!tpu.dma_semaphore, #tpu.memory_space<semaphore_mem>>)
        %dma_wait3A = arith.constant 0 : i32
        %dma_wait3A_138 = arith.constant 0 : i32
        %dma_wait3A_139 = tpu.memref_slice %arg4[%arg0, %dma_wait3A, %dma_wait3A_138] : memref<2x256x128xf32, #tpu.memory_space<hbm>> -> memref<1x256x128xf32, #tpu.memory_space<hbm>>
        %dma_wait3A_140 = tpu.memref_squeeze %dma_wait3A_139 : memref<1x256x128xf32, #tpu.memory_space<hbm>> -> memref<256x128xf32, #tpu.memory_space<hbm>>
        tpu.wait_dma2 semaphore(%run_scoped3A : memref<!tpu.dma_semaphore, #tpu.memory_space<semaphore_mem>>) src(%arg11 : memref<256x128xf32, #tpu.memory_space<vmem_shared>>) dst(%dma_wait3A_140 : memref<256x128xf32, #tpu.memory_space<hbm>>)
        tpu.yield
      }) : () -> ()
    } else {
    }
    return
  }
}

module attributes {stable_mosaic.version = 14 : i64} {
  func.func @_loss_kernel(%arg0: i32, %arg1: i32, %arg2: memref<1x19x128x512xf32, #tpu.memory_space<vmem>>, %arg3: memref<1x128x512xi32, #tpu.memory_space<vmem>>, %arg4: memref<1x128x512xi32, #tpu.memory_space<vmem>>) attributes {dimension_semantics = [#tpu.dimension_semantics<arbitrary>, #tpu.dimension_semantics<arbitrary>], iteration_bounds = array<i64: 8, 4>, scalar_prefetch = 0 : i64, scratch_operands = 0 : i64, tpu.core_type = #tpu.core_type<tc>, window_params = [{transform_indices = @transform_0, window_bounds = array<i64: 1, 19, 128, 512>}, {transform_indices = @transform_1, window_bounds = array<i64: 1, 128, 512>}, {transform_indices = @transform_2, window_bounds = array<i64: 1, 128, 512>}]} {
    %get3A = arith.constant 0 : index
    %get3A_0 = arith.constant 0 : index
    %get3A_1 = arith.constant 0 : index
    %get3A_2 = arith.constant 0 : index
    %get3A_3 = vector.load %arg2[%get3A, %get3A_0, %get3A_1, %get3A_2] : memref<1x19x128x512xf32, #tpu.memory_space<vmem>>, vector<1x19x128x512xf32>
    %get3A_4 = vector.shape_cast %get3A_3 : vector<1x19x128x512xf32> to vector<19x128x512xf32>
    %get3A_5 = arith.constant 0 : index
    %get3A_6 = arith.constant 0 : index
    %get3A_7 = arith.constant 0 : index
    %get3A_8 = vector.load %arg3[%get3A_5, %get3A_6, %get3A_7] : memref<1x128x512xi32, #tpu.memory_space<vmem>>, vector<1x128x512xi32>
    %get3A_9 = vector.shape_cast %get3A_8 : vector<1x128x512xi32> to vector<128x512xi32>
    %reduce_max3A = arith.constant dense<0xFF800000> : vector<128x512xf32>
    %reduce_max3A_10 = vector.multi_reduction <maximumf>, %get3A_4, %reduce_max3A [0] : vector<19x128x512xf32> to vector<128x512xf32>
    %broadcast_in_dim3A = vector.shape_cast %reduce_max3A_10 : vector<128x512xf32> to vector<1x128x512xf32>
    %sub3A = vector.broadcast %broadcast_in_dim3A : vector<1x128x512xf32> to vector<19x128x512xf32>
    %sub3A_11 = arith.subf %get3A_4, %sub3A : vector<19x128x512xf32>
    %exp3A = math.exp %sub3A_11 : vector<19x128x512xf32>
    %reduce_sum3A = arith.constant dense<0.000000e+00> : vector<128x512xf32>
    %reduce_sum3A_12 = vector.multi_reduction <add>, %exp3A, %reduce_sum3A [0] : vector<19x128x512xf32> to vector<128x512xf32>
    %log3A = math.log %reduce_sum3A_12 : vector<128x512xf32>
    %add3A = arith.addf %log3A, %reduce_max3A_10 : vector<128x512xf32>
    %iota3A = tpu.iota {dimensions = array<i32: 0>} : vector<19x128x512xi32>
    %broadcast_in_dim3A_13 = vector.shape_cast %get3A_9 : vector<128x512xi32> to vector<1x128x512xi32>
    %eq3A = vector.broadcast %broadcast_in_dim3A_13 : vector<1x128x512xi32> to vector<19x128x512xi32>
    %eq3A_14 = arith.cmpi eq, %iota3A, %eq3A : vector<19x128x512xi32>
    %jit3A = arith.constant 0.000000e+00 : f32
    %broadcast_in_dim3A_15 = vector.broadcast %jit3A : f32 to vector<19x128x512xf32>
    %select_n3A = arith.select %eq3A_14, %get3A_4, %broadcast_in_dim3A_15 : vector<19x128x512xi1>, vector<19x128x512xf32>
    %reduce_sum3A_16 = arith.constant dense<0.000000e+00> : vector<128x512xf32>
    %reduce_sum3A_17 = vector.multi_reduction <add>, %select_n3A, %reduce_sum3A_16 [0] : vector<19x128x512xf32> to vector<128x512xf32>
    %sub3A_18 = arith.subf %add3A, %reduce_sum3A_17 : vector<128x512xf32>
    %bitcast_convert_type3A = tpu.bitcast %sub3A_18 : vector<128x512xf32> -> vector<128x512xi32>
    %swap3A = arith.constant 0 : index
    %swap3A_19 = arith.constant 0 : index
    %swap3A_20 = arith.constant 0 : index
    %swap3A_21 = vector.load %arg4[%swap3A, %swap3A_19, %swap3A_20] : memref<1x128x512xi32, #tpu.memory_space<vmem>>, vector<1x128x512xi32>
    %swap3A_22 = vector.shape_cast %swap3A_21 : vector<1x128x512xi32> to vector<128x512xi32>
    %swap3A_23 = vector.shape_cast %bitcast_convert_type3A : vector<128x512xi32> to vector<1x128x512xi32>
    tpu.vector_store %arg4[%swap3A, %swap3A_19, %swap3A_20], %swap3A_23 {strides = array<i32>} : memref<1x128x512xi32, #tpu.memory_space<vmem>>, vector<1x128x512xi32>,
    return
  }
  func.func @transform_0(%arg0: i32, %arg1: i32) -> (i32, i32, i32, i32) {
    %c0_i32 = arith.constant 0 : i32
    %c0_i32_0 = arith.constant 0 : i32
    %c0_i32_1 = arith.constant 0 : i32
    return %arg0, %c0_i32, %arg1, %c0_i32_0 : i32, i32, i32, i32
  }
  func.func @transform_1(%arg0: i32, %arg1: i32) -> (i32, i32, i32) {
    %c0_i32 = arith.constant 0 : i32
    %c0_i32_0 = arith.constant 0 : i32
    return %arg0, %arg1, %c0_i32 : i32, i32, i32
  }
  func.func @transform_2(%arg0: i32, %arg1: i32) -> (i32, i32, i32) {
    %c0_i32 = arith.constant 0 : i32
    %c0_i32_0 = arith.constant 0 : i32
    return %arg0, %arg1, %c0_i32 : i32, i32, i32
  }
}

module attributes {stable_mosaic.version = 14 : i64} {
  func.func @_finish_kernel(%arg0: memref<2x256x128xi32, #tpu.memory_space<vmem>>, %arg1: memref<2x256x128xf32, #tpu.memory_space<vmem>>, %arg2: memref<1x1xf32, #tpu.memory_space<vmem>>) attributes {dimension_semantics = [], scalar_prefetch = 0 : i64, scratch_operands = 0 : i64, tpu.core_type = #tpu.core_type<tc>} {
    %get3A = arith.constant 0 : index
    %get3A_0 = arith.constant 0 : index
    %get3A_1 = arith.constant 0 : index
    %get3A_2 = vector.load %arg0[%get3A, %get3A_0, %get3A_1] : memref<2x256x128xi32, #tpu.memory_space<vmem>>, vector<1x256x128xi32>
    %get3A_3 = vector.shape_cast %get3A_2 : vector<1x256x128xi32> to vector<256x128xi32>
    %get3A_4 = arith.constant 1 : index
    %get3A_5 = arith.constant 0 : index
    %get3A_6 = arith.constant 0 : index
    %get3A_7 = vector.load %arg0[%get3A_4, %get3A_5, %get3A_6] : memref<2x256x128xi32, #tpu.memory_space<vmem>>, vector<1x256x128xi32>
    %get3A_8 = vector.shape_cast %get3A_7 : vector<1x256x128xi32> to vector<256x128xi32>
    %add3A = arith.addi %get3A_3, %get3A_8 : vector<256x128xi32>
    %convert_element_type3A = arith.sitofp %add3A : vector<256x128xi32> to vector<256x128xf32>
    %get3A_9 = arith.constant 0 : index
    %get3A_10 = arith.constant 0 : index
    %get3A_11 = arith.constant 0 : index
    %get3A_12 = vector.load %arg1[%get3A_9, %get3A_10, %get3A_11] : memref<2x256x128xf32, #tpu.memory_space<vmem>>, vector<1x256x128xf32>
    %get3A_13 = vector.shape_cast %get3A_12 : vector<1x256x128xf32> to vector<256x128xf32>
    %get3A_14 = arith.constant 1 : index
    %get3A_15 = arith.constant 0 : index
    %get3A_16 = arith.constant 0 : index
    %get3A_17 = vector.load %arg1[%get3A_14, %get3A_15, %get3A_16] : memref<2x256x128xf32, #tpu.memory_space<vmem>>, vector<1x256x128xf32>
    %get3A_18 = vector.shape_cast %get3A_17 : vector<1x256x128xf32> to vector<256x128xf32>
    %add3A_19 = arith.addf %get3A_13, %get3A_18 : vector<256x128xf32>
    %broadcast_in_dim3A = arith.constant 1.000000e+00 : f32
    %broadcast_in_dim3A_20 = vector.broadcast %broadcast_in_dim3A : f32 to vector<128x1xf32>
    %iota3A = tpu.iota {dimensions = array<i32: 0>} : vector<256x256xi32>
    %iota3A_21 = tpu.iota {dimensions = array<i32: 1>} : vector<256x256xi32>
    %ge3A = arith.cmpi sge, %iota3A_21, %iota3A : vector<256x256xi32>
    %convert_element_type3A_22 = arith.extui %ge3A : vector<256x256xi1> to vector<256x256xi32>
    %convert_element_type3A_23 = arith.sitofp %convert_element_type3A_22 : vector<256x256xi32> to vector<256x256xf32>
    %iota3A_24 = tpu.iota {dimensions = array<i32: 0>} : vector<128x128xi32>
    %iota3A_25 = tpu.iota {dimensions = array<i32: 1>} : vector<128x128xi32>
    %ge3A_26 = arith.cmpi sge, %iota3A_24, %iota3A_25 : vector<128x128xi32>
    %convert_element_type3A_27 = arith.extui %ge3A_26 : vector<128x128xi1> to vector<128x128xi32>
    %convert_element_type3A_28 = arith.sitofp %convert_element_type3A_27 : vector<128x128xi32> to vector<128x128xf32>
    %dot_general3A = arith.constant dense<0.000000e+00> : vector<256x1xf32>
    %dot_general3A_29 = tpu.matmul %convert_element_type3A, %broadcast_in_dim3A_20, %dot_general3A {dimension_numbers = #tpu.dot_dimension_numbers<[1], [0], [0], [1], [0, 0, 1, 1], [], []>, precision = #tpu.contract_precision<fp32>, transpose_lhs_hint = false} : vector<256x128xf32>, vector<128x1xf32>, vector<256x1xf32> -> vector<256x1xf32>
    %dot_general3A_30 = arith.constant dense<0.000000e+00> : vector<256x1xf32>
    %dot_general3A_31 = tpu.matmul %add3A_19, %broadcast_in_dim3A_20, %dot_general3A_30 {dimension_numbers = #tpu.dot_dimension_numbers<[1], [0], [0], [1], [0, 0, 1, 1], [], []>, precision = #tpu.contract_precision<fp32>, transpose_lhs_hint = false} : vector<256x128xf32>, vector<128x1xf32>, vector<256x1xf32> -> vector<256x1xf32>
    %dot_general3A_32 = arith.constant dense<0.000000e+00> : vector<256x1xf32>
    %dot_general3A_33 = tpu.matmul %convert_element_type3A_23, %dot_general3A_29, %dot_general3A_32 {dimension_numbers = #tpu.dot_dimension_numbers<[1], [0], [0], [1], [0, 0, 1, 1], [], []>, precision = #tpu.contract_precision<fp32>, transpose_lhs_hint = false} : vector<256x256xf32>, vector<256x1xf32>, vector<256x1xf32> -> vector<256x1xf32>
    %dot_general3A_34 = arith.constant dense<0.000000e+00> : vector<256x1xf32>
    %dot_general3A_35 = tpu.matmul %convert_element_type3A_23, %dot_general3A_31, %dot_general3A_34 {dimension_numbers = #tpu.dot_dimension_numbers<[1], [0], [0], [1], [0, 0, 1, 1], [], []>, precision = #tpu.contract_precision<fp32>, transpose_lhs_hint = false} : vector<256x256xf32>, vector<256x1xf32>, vector<256x1xf32> -> vector<256x1xf32>
    %iota3A_36 = tpu.iota {dimensions = array<i32: 0>} : vector<256x1xi32>
    %ge3A_37 = arith.constant 4.194300e+05 : f32
    %ge3A_38 = vector.broadcast %ge3A_37 : f32 to vector<256x1xf32>
    %ge3A_39 = arith.cmpf oge, %dot_general3A_33, %ge3A_38 : vector<256x1xf32>
    %jit3A = arith.constant -1 : i32
    %broadcast_in_dim3A_40 = vector.broadcast %jit3A : i32 to vector<256x1xi32>
    %select_n3A = arith.select %ge3A_39, %iota3A_36, %broadcast_in_dim3A_40 : vector<256x1xi1>, vector<256x1xi32>
    %reduce_max3A = vector.shape_cast %select_n3A : vector<256x1xi32> to vector<1x256x1xi32>
    %reduce_max3A_41 = arith.constant dense<-2147483648> : vector<1xi32>
    %reduce_max3A_42 = vector.multi_reduction <maxsi>, %reduce_max3A, %reduce_max3A_41 [1, 2] : vector<1x256x1xi32> to vector<1xi32>
    %reduce_max3A_43 = vector.shape_cast %reduce_max3A_42 : vector<1xi32> to vector<1x1x1xi32>
    %reduce_max3A_44 = vector.extract %reduce_max3A_43[0, 0, 0] : i32 from vector<1x1x1xi32>
    %eq3A = vector.broadcast %reduce_max3A_44 : i32 to vector<256x1xi32>
    %eq3A_45 = arith.cmpi eq, %iota3A_36, %eq3A : vector<256x1xi32>
    %jit3A_46 = arith.constant 0.000000e+00 : f32
    %broadcast_in_dim3A_47 = vector.broadcast %jit3A_46 : f32 to vector<256x1xf32>
    %select_n3A_48 = arith.select %eq3A_45, %dot_general3A_33, %broadcast_in_dim3A_47 : vector<256x1xi1>, vector<256x1xf32>
    %reduce_sum3A = vector.shape_cast %select_n3A_48 : vector<256x1xf32> to vector<1x256x1xf32>
    %reduce_sum3A_49 = arith.constant dense<0.000000e+00> : vector<1xf32>
    %reduce_sum3A_50 = vector.multi_reduction <add>, %reduce_sum3A, %reduce_sum3A_49 [1, 2] : vector<1x256x1xf32> to vector<1xf32>
    %reduce_sum3A_51 = vector.shape_cast %reduce_sum3A_50 : vector<1xf32> to vector<1x1x1xf32>
    %reduce_sum3A_52 = vector.extract %reduce_sum3A_51[0, 0, 0] : f32 from vector<1x1x1xf32>
    %eq3A_53 = vector.broadcast %reduce_max3A_44 : i32 to vector<256x1xi32>
    %eq3A_54 = arith.cmpi eq, %iota3A_36, %eq3A_53 : vector<256x1xi32>
    %jit3A_55 = arith.constant 0.000000e+00 : f32
    %broadcast_in_dim3A_56 = vector.broadcast %jit3A_55 : f32 to vector<256x1xf32>
    %select_n3A_57 = arith.select %eq3A_54, %dot_general3A_29, %broadcast_in_dim3A_56 : vector<256x1xi1>, vector<256x1xf32>
    %reduce_sum3A_58 = vector.shape_cast %select_n3A_57 : vector<256x1xf32> to vector<1x256x1xf32>
    %reduce_sum3A_59 = arith.constant dense<0.000000e+00> : vector<1xf32>
    %reduce_sum3A_60 = vector.multi_reduction <add>, %reduce_sum3A_58, %reduce_sum3A_59 [1, 2] : vector<1x256x1xf32> to vector<1xf32>
    %reduce_sum3A_61 = vector.shape_cast %reduce_sum3A_60 : vector<1xf32> to vector<1x1x1xf32>
    %reduce_sum3A_62 = vector.extract %reduce_sum3A_61[0, 0, 0] : f32 from vector<1x1x1xf32>
    %sub3A = arith.subf %reduce_sum3A_52, %reduce_sum3A_62 : f32
    %eq3A_63 = vector.broadcast %reduce_max3A_44 : i32 to vector<256x1xi32>
    %eq3A_64 = arith.cmpi eq, %iota3A_36, %eq3A_63 : vector<256x1xi32>
    %jit3A_65 = arith.constant 0.000000e+00 : f32
    %broadcast_in_dim3A_66 = vector.broadcast %jit3A_65 : f32 to vector<256x1xf32>
    %select_n3A_67 = arith.select %eq3A_64, %dot_general3A_35, %broadcast_in_dim3A_66 : vector<256x1xi1>, vector<256x1xf32>
    %reduce_sum3A_68 = vector.shape_cast %select_n3A_67 : vector<256x1xf32> to vector<1x256x1xf32>
    %reduce_sum3A_69 = arith.constant dense<0.000000e+00> : vector<1xf32>
    %reduce_sum3A_70 = vector.multi_reduction <add>, %reduce_sum3A_68, %reduce_sum3A_69 [1, 2] : vector<1x256x1xf32> to vector<1xf32>
    %reduce_sum3A_71 = vector.shape_cast %reduce_sum3A_70 : vector<1xf32> to vector<1x1x1xf32>
    %reduce_sum3A_72 = vector.extract %reduce_sum3A_71[0, 0, 0] : f32 from vector<1x1x1xf32>
    %eq3A_73 = vector.broadcast %reduce_max3A_44 : i32 to vector<256x1xi32>
    %eq3A_74 = arith.cmpi eq, %iota3A_36, %eq3A_73 : vector<256x1xi32>
    %jit3A_75 = arith.constant 0.000000e+00 : f32
    %broadcast_in_dim3A_76 = vector.broadcast %jit3A_75 : f32 to vector<256x1xf32>
    %select_n3A_77 = arith.select %eq3A_74, %dot_general3A_31, %broadcast_in_dim3A_76 : vector<256x1xi1>, vector<256x1xf32>
    %reduce_sum3A_78 = vector.shape_cast %select_n3A_77 : vector<256x1xf32> to vector<1x256x1xf32>
    %reduce_sum3A_79 = arith.constant dense<0.000000e+00> : vector<1xf32>
    %reduce_sum3A_80 = vector.multi_reduction <add>, %reduce_sum3A_78, %reduce_sum3A_79 [1, 2] : vector<1x256x1xf32> to vector<1xf32>
    %reduce_sum3A_81 = vector.shape_cast %reduce_sum3A_80 : vector<1xf32> to vector<1x1x1xf32>
    %reduce_sum3A_82 = vector.extract %reduce_sum3A_81[0, 0, 0] : f32 from vector<1x1x1xf32>
    %sub3A_83 = arith.subf %reduce_sum3A_72, %reduce_sum3A_82 : f32
    %iota3A_84 = tpu.iota {dimensions = array<i32: 0>} : vector<256x128xi32>
    %eq3A_85 = vector.broadcast %reduce_max3A_44 : i32 to vector<256x128xi32>
    %eq3A_86 = arith.cmpi eq, %iota3A_84, %eq3A_85 : vector<256x128xi32>
    %jit3A_87 = arith.constant 0.000000e+00 : f32
    %broadcast_in_dim3A_88 = vector.broadcast %jit3A_87 : f32 to vector<256x128xf32>
    %select_n3A_89 = arith.select %eq3A_86, %convert_element_type3A, %broadcast_in_dim3A_88 : vector<256x128xi1>, vector<256x128xf32>
    %reduce_sum3A_90 = arith.constant dense<0.000000e+00> : vector<128xf32>
    %reduce_sum3A_91 = vector.multi_reduction <add>, %select_n3A_89, %reduce_sum3A_90 [0] : vector<256x128xf32> to vector<128xf32>
    %broadcast_in_dim3A_92 = vector.shape_cast %reduce_sum3A_91 : vector<128xf32> to vector<1x128xf32>
    %jit3A_93 = arith.constant 0.000000e+00 : f32
    %broadcast_in_dim3A_94 = vector.broadcast %jit3A_93 : f32 to vector<256x128xf32>
    %select_n3A_95 = arith.select %eq3A_86, %add3A_19, %broadcast_in_dim3A_94 : vector<256x128xi1>, vector<256x128xf32>
    %reduce_sum3A_96 = arith.constant dense<0.000000e+00> : vector<128xf32>
    %reduce_sum3A_97 = vector.multi_reduction <add>, %select_n3A_95, %reduce_sum3A_96 [0] : vector<256x128xf32> to vector<128xf32>
    %broadcast_in_dim3A_98 = vector.shape_cast %reduce_sum3A_97 : vector<128xf32> to vector<1x128xf32>
    %dot_general3A_99 = arith.constant dense<0.000000e+00> : vector<1x128xf32>
    %dot_general3A_100 = tpu.matmul %broadcast_in_dim3A_92, %convert_element_type3A_28, %dot_general3A_99 {dimension_numbers = #tpu.dot_dimension_numbers<[1], [0], [0], [1], [0, 0, 1, 1], [], []>, precision = #tpu.contract_precision<fp32>, transpose_lhs_hint = false} : vector<1x128xf32>, vector<128x128xf32>, vector<1x128xf32> -> vector<1x128xf32>
    %add3A_101 = vector.broadcast %sub3A : f32 to vector<1x128xf32>
    %add3A_102 = arith.addf %add3A_101, %dot_general3A_100 : vector<1x128xf32>
    %dot_general3A_103 = arith.constant dense<0.000000e+00> : vector<1x128xf32>
    %dot_general3A_104 = tpu.matmul %broadcast_in_dim3A_98, %convert_element_type3A_28, %dot_general3A_103 {dimension_numbers = #tpu.dot_dimension_numbers<[1], [0], [0], [1], [0, 0, 1, 1], [], []>, precision = #tpu.contract_precision<fp32>, transpose_lhs_hint = false} : vector<1x128xf32>, vector<128x128xf32>, vector<1x128xf32> -> vector<1x128xf32>
    %iota3A_105 = tpu.iota {dimensions = array<i32: 1>} : vector<1x128xi32>
    %ge3A_106 = arith.constant 4.194300e+05 : f32
    %ge3A_107 = vector.broadcast %ge3A_106 : f32 to vector<1x128xf32>
    %ge3A_108 = arith.cmpf oge, %add3A_102, %ge3A_107 : vector<1x128xf32>
    %jit3A_109 = arith.constant -1 : i32
    %broadcast_in_dim3A_110 = vector.broadcast %jit3A_109 : i32 to vector<1x128xi32>
    %select_n3A_111 = arith.select %ge3A_108, %iota3A_105, %broadcast_in_dim3A_110 : vector<1x128xi1>, vector<1x128xi32>
    %reduce_max3A_112 = vector.shape_cast %select_n3A_111 : vector<1x128xi32> to vector<1x1x128xi32>
    %reduce_max3A_113 = arith.constant dense<-2147483648> : vector<1xi32>
    %reduce_max3A_114 = vector.multi_reduction <maxsi>, %reduce_max3A_112, %reduce_max3A_113 [1, 2] : vector<1x1x128xi32> to vector<1xi32>
    %reduce_max3A_115 = vector.shape_cast %reduce_max3A_114 : vector<1xi32> to vector<1x1x1xi32>
    %reduce_max3A_116 = vector.extract %reduce_max3A_115[0, 0, 0] : i32 from vector<1x1x1xi32>
    %eq3A_117 = vector.broadcast %reduce_max3A_116 : i32 to vector<1x128xi32>
    %eq3A_118 = arith.cmpi eq, %iota3A_105, %eq3A_117 : vector<1x128xi32>
    %jit3A_119 = arith.constant 0.000000e+00 : f32
    %broadcast_in_dim3A_120 = vector.broadcast %jit3A_119 : f32 to vector<1x128xf32>
    %select_n3A_121 = arith.select %eq3A_118, %add3A_102, %broadcast_in_dim3A_120 : vector<1x128xi1>, vector<1x128xf32>
    %reduce_sum3A_122 = vector.shape_cast %select_n3A_121 : vector<1x128xf32> to vector<1x1x128xf32>
    %reduce_sum3A_123 = arith.constant dense<0.000000e+00> : vector<1xf32>
    %reduce_sum3A_124 = vector.multi_reduction <add>, %reduce_sum3A_122, %reduce_sum3A_123 [1, 2] : vector<1x1x128xf32> to vector<1xf32>
    %reduce_sum3A_125 = vector.shape_cast %reduce_sum3A_124 : vector<1xf32> to vector<1x1x1xf32>
    %reduce_sum3A_126 = vector.extract %reduce_sum3A_125[0, 0, 0] : f32 from vector<1x1x1xf32>
    %eq3A_127 = vector.broadcast %reduce_max3A_116 : i32 to vector<1x128xi32>
    %eq3A_128 = arith.cmpi eq, %iota3A_105, %eq3A_127 : vector<1x128xi32>
    %jit3A_129 = arith.constant 0.000000e+00 : f32
    %broadcast_in_dim3A_130 = vector.broadcast %jit3A_129 : f32 to vector<1x128xf32>
    %select_n3A_131 = arith.select %eq3A_128, %broadcast_in_dim3A_92, %broadcast_in_dim3A_130 : vector<1x128xi1>, vector<1x128xf32>
    %reduce_sum3A_132 = vector.shape_cast %select_n3A_131 : vector<1x128xf32> to vector<1x1x128xf32>
    %reduce_sum3A_133 = arith.constant dense<0.000000e+00> : vector<1xf32>
    %reduce_sum3A_134 = vector.multi_reduction <add>, %reduce_sum3A_132, %reduce_sum3A_133 [1, 2] : vector<1x1x128xf32> to vector<1xf32>
    %reduce_sum3A_135 = vector.shape_cast %reduce_sum3A_134 : vector<1xf32> to vector<1x1x1xf32>
    %reduce_sum3A_136 = vector.extract %reduce_sum3A_135[0, 0, 0] : f32 from vector<1x1x1xf32>
    %sub3A_137 = arith.subf %reduce_sum3A_126, %reduce_sum3A_136 : f32
    %eq3A_138 = vector.broadcast %reduce_max3A_116 : i32 to vector<1x128xi32>
    %eq3A_139 = arith.cmpi eq, %iota3A_105, %eq3A_138 : vector<1x128xi32>
    %jit3A_140 = arith.constant 0.000000e+00 : f32
    %broadcast_in_dim3A_141 = vector.broadcast %jit3A_140 : f32 to vector<1x128xf32>
    %select_n3A_142 = arith.select %eq3A_139, %dot_general3A_104, %broadcast_in_dim3A_141 : vector<1x128xi1>, vector<1x128xf32>
    %reduce_sum3A_143 = vector.shape_cast %select_n3A_142 : vector<1x128xf32> to vector<1x1x128xf32>
    %reduce_sum3A_144 = arith.constant dense<0.000000e+00> : vector<1xf32>
    %reduce_sum3A_145 = vector.multi_reduction <add>, %reduce_sum3A_143, %reduce_sum3A_144 [1, 2] : vector<1x1x128xf32> to vector<1xf32>
    %reduce_sum3A_146 = vector.shape_cast %reduce_sum3A_145 : vector<1xf32> to vector<1x1x1xf32>
    %reduce_sum3A_147 = vector.extract %reduce_sum3A_146[0, 0, 0] : f32 from vector<1x1x1xf32>
    %add3A_148 = arith.addf %sub3A_83, %reduce_sum3A_147 : f32
    %eq3A_149 = vector.broadcast %reduce_max3A_116 : i32 to vector<1x128xi32>
    %eq3A_150 = arith.cmpi eq, %iota3A_105, %eq3A_149 : vector<1x128xi32>
    %jit3A_151 = arith.constant 0.000000e+00 : f32
    %broadcast_in_dim3A_152 = vector.broadcast %jit3A_151 : f32 to vector<1x128xf32>
    %select_n3A_153 = arith.select %eq3A_150, %broadcast_in_dim3A_98, %broadcast_in_dim3A_152 : vector<1x128xi1>, vector<1x128xf32>
    %reduce_sum3A_154 = vector.shape_cast %select_n3A_153 : vector<1x128xf32> to vector<1x1x128xf32>
    %reduce_sum3A_155 = arith.constant dense<0.000000e+00> : vector<1xf32>
    %reduce_sum3A_156 = vector.multi_reduction <add>, %reduce_sum3A_154, %reduce_sum3A_155 [1, 2] : vector<1x1x128xf32> to vector<1xf32>
    %reduce_sum3A_157 = vector.shape_cast %reduce_sum3A_156 : vector<1xf32> to vector<1x1x1xf32>
    %reduce_sum3A_158 = vector.extract %reduce_sum3A_157[0, 0, 0] : f32 from vector<1x1x1xf32>
    %sub3A_159 = arith.subf %add3A_148, %reduce_sum3A_158 : f32
    %mul3A = arith.constant 128 : i32
    %mul3A_160 = arith.muli %reduce_max3A_44, %mul3A : i32
    %add3A_161 = arith.addi %mul3A_160, %reduce_max3A_116 : i32
    %shift_left3A = arith.constant 16 : i32
    %shift_left3A_162 = arith.shli %add3A_161, %shift_left3A : i32
    %or3A = arith.constant 32768 : i32
    %or3A_163 = arith.ori %shift_left3A_162, %or3A : i32
    %broadcast_in_dim3A_164 = vector.broadcast %or3A_163 : i32 to vector<1x1xi32>
    %bitcast_convert_type3A = tpu.bitcast %broadcast_in_dim3A_164 : vector<1x1xi32> -> vector<1x1xf32>
    %sub3A_165 = arith.constant 4.194300e+05 : f32
    %sub3A_166 = arith.subf %sub3A_165, %sub3A_137 : f32
    %mul3A_167 = vector.broadcast %sub3A_166 : f32 to vector<1x1xf32>
    %mul3A_168 = arith.mulf %mul3A_167, %bitcast_convert_type3A : vector<1x1xf32>
    %add3A_169 = vector.broadcast %sub3A_159 : f32 to vector<1x1xf32>
    %add3A_170 = arith.addf %add3A_169, %mul3A_168 : vector<1x1xf32>
    %mul3A_171 = arith.constant 2.38418806E-6 : f32
    %mul3A_172 = vector.broadcast %mul3A_171 : f32 to vector<1x1xf32>
    %mul3A_173 = arith.mulf %add3A_170, %mul3A_172 : vector<1x1xf32>
    %swap3A = arith.constant 0 : index
    %swap3A_174 = arith.constant 0 : index
    %swap3A_175 = vector.load %arg2[%swap3A, %swap3A_174] : memref<1x1xf32, #tpu.memory_space<vmem>>, vector<1x1xf32>
    tpu.vector_store %arg2[%swap3A, %swap3A_174], %mul3A_173 {strides = array<i32>} : memref<1x1xf32, #tpu.memory_space<vmem>>, vector<1x1xf32>,
    return
  }
}

</mosaic_0001>

<sc_bundles>
// kernel: kernel.5.cloned.1.call-start
scs
__scs_entry_jumppad:
0x0: {  	(pc) =	sbr.rel $0x88, $3  }
0x1: {  	(tag) =	ssettag $0x0;
	lr =	simm.s32 $0x1  }
0x2: {  	[smem:$0x3F9F] =	sst lr;
	_ =	strace $0xD0000000  }
0x3: {  	_ = 	snop  }
0x4: {  	_ = 	snop  }
0x5: {  	_ = 	snop  }
0x6: {  	_ = 	snop  }
0x7: {  	_ = 	snop  }
__scs_overlays_trampoline_lowered:
0x8: {  	[smem:$0x3FAE] =	sst s0  }
0x9: {  	[smem:$0x3FAF] =	sst s1  }
0xa: {  	[smem:$0x3FB0] =	sst s2  }
0xb: {  	[smem:$0x3FB1] =	sst s3  }
0xc: {  	[smem:$0x3FB2] =	sst s4  }
0xd: {  	[smem:$0x3FB3] =	sst s5  }
0xe: {  	[smem:$0x3FB4] =	sst s6  }
0xf: {  	[smem:$0x3FB5] =	sst s7  }
0x10: {  	[smem:$0x3FB6] =	sst s8  }
0x11: {  	[smem:$0x3FB7] =	sst s9;
	s0 =	simm.s32 @!p0 $0x0  }
0x12: {  	s1 =	sld [smem:$0x3F9D];
	s0 =	simm.s32 @p0 $0x1  }
0x13: {  	[smem:$0x3FB8] =	sst s0;
	s0 =	simm.s32 @!p1 $0x0  }
0x14: {  	s2 =	sld [smem:$0x3F9C];
	s0 =	simm.s32 @p1 $0x1  }
0x15: {  	[smem:$0x3FB9] =	sst s0;
	s0 =	simm.s32 @!p2 $0x0  }
0x16: {  	s3 =	sld [smem:$0x3FDB];
	s0 =	simm.s32 @p2 $0x1  }
0x17: {  	s4 =	simm.s32 $0x1BF5;
	[smem:$0x3FBB] =	sst s0  }
0x18: {  	s0 =	sld [smem:$0x3F9E];
	_ =	swait.ge [sflag:s4], $0x0  }
0x19: {  	s7 =	sld [smem:$0x3F9F]  }
0x1a: {  	s8 =	sadd.s32 $0xFFFFE003, lr  }
0x1b: {  	s9 =	sadd.s32 $0xFFFFFEF7, lr;
	s5 =	simm.s32 $0xFFFFFFFF;
	p2 =	slt.u32 s8, $0xFFFFF086  }
0x1c: {  	p1 =	slt.u32 s9, $0xF7A;
	s5 =	simm.s32 @!p2 $0x0  }
0x1d: {  	s5 =	simm.s32 @p1 $0x1;
	p0 =	seq.s32 s7, s2  }
0x1e: {  	s7 =	smul.u32 @!p0 $0xF7A, s2;
	p2 =	seq.s32 @!p0 s5, $0x0  }
0x1f: {  	s9 =	smul.u32 $0xF7A, s1;
	s8 =	simm.s32 @!p0 $0x1BF5;
	p2 =	por !p2, p0  }
0x20: {  	[sflag:s8] =	ssyncset.s32 @!p0 $0xFFFFF086;
	s6 =	sadd.s32 @!p0 s3, s7;
	s7 =	simm.s32 @!p0 $0x108  }
0x21: {  	s3 =	sadd.s32 s3, s9;
	s6 =	sadd.s32 @!p0 $0x88, s6;
	s7 =	simm.s32 @p2 $0x1082  }
0x22: {  	[simem:s7], [sflag:s8] =	dma.local @!p0 [hbm:s6], $0xF7A  }
0x23: {  	s9 =	sor.u32 $0xD0000000, s2;
	s6 =	simm.s32 $0x108;
	_ =	swait.ge @!p0 [sflag:s8], $0x0  }
0x24: {  	s3 =	sadd.s32 $0x88, s3;
	s6 =	simm.s32 @!p1 $0x1082;
	[sflag:s4] =	ssyncset.s32 $0xFFFFF086  }
0x25: {  	[simem:s6], [sflag:s4] =	dma.local [hbm:s3], $0xF7A  }
0x26: {  	[smem:$0x3F9F] =	sst s1;
	(tag) =	ssettag s2;
	_ =	strace s9  }
0x27: {  	s1 =	sld [smem:$0x3FAF]  }
0x28: {  	s2 =	sld [smem:$0x3FB0]  }
0x29: {  	s4 =	sld [smem:$0x3FB2]  }
0x2a: {  	p0 =	seq.s32 s5, $0x0;
	s5 =	sld [smem:$0x3FB3]  }
0x2b: {  	s6 =	sld [smem:$0x3FB4]  }
0x2c: {  	s7 =	sld [smem:$0x3FB5]  }
0x2d: {  	s3 =	simm.s32 $0x108;
	s8 =	sld [smem:$0x3FB6]  }
0x2e: {  	s3 =	simm.s32 @!p0 $0x1082;
	s9 =	sld [smem:$0x3FB7]  }
0x2f: {  	lr =	sadd.s32 s0, s3;
	s0 =	sld [smem:$0x3FAE]  }
0x30: {  	s3 =	sld [smem:$0x3FB1]  }
0x31: {  	[smem:$0x3FBA] =	sst s10  }
0x32: {  	s10 =	sld [smem:$0x3FB8];
	_ =	sdelay $0x3  }
0x33: {  	p0 =	seq.s32 s10, $0x1;
	s10 =	sld [smem:$0x3FBA];
	_ =	sdelay $0x3  }
0x34: {  	[smem:$0x3FBA] =	sst s10  }
0x35: {  	s10 =	sld [smem:$0x3FB9];
	_ =	sdelay $0x3  }
0x36: {  	p1 =	seq.s32 s10, $0x1;
	s10 =	sld [smem:$0x3FBA];
	_ =	sdelay $0x3  }
0x37: {  	[smem:$0x3FBA] =	sst s10  }
0x38: {  	s10 =	sld [smem:$0x3FBB]  }
0x39: {  	_ = 	snop;
	(pc) =	sbr.ind lr, $3  }
0x3a: {  	_ = 	snop  }
0x3b: {  	_ = 	snop  }
0x3c: {  	p2 =	seq.s32 s10, $0x1;
	s10 =	sld [smem:$0x3FBA]  }
0x3d: {  	_ =	shalt  }
0x3e: {  	_ =	shalt  }
0x3f: {  	_ =	shalt  }
0x40: {  	_ =	shalt  }
0x41: {  	_ =	shalt  }
0x42: {  	_ =	shalt  }
0x43: {  	_ =	shalt  }
0x44: {  	_ =	shalt  }
0x45: {  	_ =	shalt  }
0x46: {  	_ =	shalt  }
0x47: {  	_ =	shalt  }
0x48: {  	_ =	shalt  }
0x49: {  	_ =	shalt  }
0x4a: {  	_ =	shalt  }
0x4b: {  	_ =	shalt  }
0x4c: {  	_ =	shalt  }
0x4d: {  	_ =	shalt  }
0x4e: {  	_ =	shalt  }
0x4f: {  	_ =	shalt  }
0x50: {  	_ =	shalt  }
0x51: {  	_ =	shalt  }
0x52: {  	_ =	shalt  }
0x53: {  	_ =	shalt  }
0x54: {  	_ =	shalt  }
0x55: {  	_ =	shalt  }
0x56: {  	_ =	shalt  }
0x57: {  	_ =	shalt  }
0x58: {  	_ =	shalt  }
0x59: {  	_ =	shalt  }
0x5a: {  	_ =	shalt  }
0x5b: {  	_ =	shalt  }
0x5c: {  	_ =	shalt  }
0x5d: {  	_ =	shalt  }
0x5e: {  	_ =	shalt  }
0x5f: {  	_ =	shalt  }
0x60: {  	_ =	shalt  }
0x61: {  	_ =	shalt  }
0x62: {  	_ =	shalt  }
0x63: {  	_ =	shalt  }
0x64: {  	_ =	shalt  }
0x65: {  	_ =	shalt  }
0x66: {  	_ =	shalt  }
0x67: {  	_ =	shalt  }
0x68: {  	_ =	shalt  }
0x69: {  	_ =	shalt  }
0x6a: {  	_ =	shalt  }
0x6b: {  	_ =	shalt  }
0x6c: {  	_ =	shalt  }
0x6d: {  	_ =	shalt  }
0x6e: {  	_ =	shalt  }
0x6f: {  	_ =	shalt  }
0x70: {  	_ =	shalt  }
0x71: {  	_ =	shalt  }
0x72: {  	_ =	shalt  }
0x73: {  	_ =	shalt  }
0x74: {  	_ =	shalt  }
0x75: {  	_ =	shalt  }
0x76: {  	_ =	shalt  }
0x77: {  	_ =	shalt  }
0x78: {  	_ =	shalt  }
0x79: {  	_ =	shalt  }
0x7a: {  	_ =	shalt  }
0x7b: {  	_ =	shalt  }
0x7c: {  	_ =	shalt  }
0x7d: {  	_ =	shalt  }
0x7e: {  	_ =	shalt  }
0x7f: {  	_ =	shalt  }
0x80: {  	_ =	shalt  }
0x81: {  	_ =	shalt  }
0x82: {  	_ =	shalt  }
0x83: {  	_ =	shalt  }
0x84: {  	_ =	shalt  }
0x85: {  	_ =	shalt  }
0x86: {  	_ =	shalt  }
0x87: {  	_ =	shalt  }
.Lfunc_end0:
.L_simem_size_0:
called_computation_lowered:
.L_overlay_start_0:
0x88: {  	s2 =	sld [smem:$0x3FD9]  }
0x89: {  	s3 =	sld [smem:$0x3FFE];
	_ =	sdelay $0x1  }
0x8a: {  	s1 =	srdreg.scid  }
0x8b: {  	s0 =	sand.u32 $0x1, s1  }
0x8c: {  	s16 =	sshll.u32 s0, $0xA;
	s2 =	sadd.s32 s3, s2  }
0x8d: {  	s2 =	sadd.s32 s2, s16  }
0x8e: {  	[smem:$0x3FC6] =	sst s2  }
0x8f: {  	_ = 	snop  }
0x90: {  	(tm) =	ssettm $0x1  }
0x91: {  	s17 =	sld [smem:$0x3FFB];
	_ =	sdelay $0x3  }
0x92: {  	_ =	strace s17  }
0x93: {  	s2 =	sld [smem:$0x3FFC];
	_ =	sdelay $0x3  }
0x94: {  	_ =	strace s2  }
0x95: {  	s2 =	sld [smem:$0x3FFD];
	_ =	sdelay $0x3  }
0x96: {  	_ =	strace s2  }
0x97: {  	_ =	strace $0x8FFFFFFF  }
0x98: {  	s18 =	sld [smem:$0x3FDB];
	_ =	sdelay $0x1  }
0x99: {  	s19 =	simm.s32 $_scs_section_size  }
0x9a: {  	s4 =	simm.s32 $_size__tile_overlayer_lowered;
	s5 =	simm.s32 $_tile_overlayer_lowered  }
0x9b: {  	s22 =	simm.s32 $0x1BFF;
	s21 =	sshll.u32 s5, $0x1;
	s2 =	sadd.s32 s19, s18  }
0x9c: {  	s6 =	simm.s32 $0x0;
	s20 =	sshll.u32 s4, $0x1;
	s4 =	sadd.s32 s21, s2  }
0x9d: {  	[timem:s6], [sflag:s22] =	dma.local [hbm:s4], s20  }
0x9e: {  	_ =	swait.ge [sflag:s22], s20  }
0x9f: {  	s3 =	ssub.s32 $0x0, s20;
	[sflag:s22] =	ssyncset.done $0x0  }
0xa0: {  	[sflag:s22] =	ssyncadd.s32 s3;
	_ =	sdelay $0x1  }
0xa1: {  	s23 =	simm.s32 $0x1B8B  }
0xa2: {  	_ =	swait.ge [sflag:s23], $0x1  }
0xa3: {  	[sflag:s23] =	ssyncset.done $0x0  }
0xa4: {  	s25 =	simm.s32 $0x1B8E;
	s24 =	sld [smem:$0x3FFE];
	[sflag:s23] =	ssyncadd.s32 $0xFFFFFFFF  }
0xa5: {  	s26 =	simm.s32 $execute0_lowered;
	[smem:$0x3FD2] =	sst s25  }
0xa6: {  	s4 =	sshll.u32 s26, $0x1;
	_ =	strace $0x80000046;
	[dreg:$0x1] =	wrdreg $0xFFFFFFFF  }
0xa7: {  	s28 =	simm.s32 $_size_execute0_lowered;
	s2 =	sadd.s32 s2, s4;
	[dreg:$0x0] =	wrdreg $0x0  }
0xa8: {  	s4 =	sshll.u32 s28, $0x1;
	[dreg:$0x2] =	wrdreg s2  }
0xa9: {  	[dreg:$0x3] =	wrdreg s4  }
0xaa: {  	[dreg:$0x4] =	wrdreg $0xC0  }
0xab: {  	_ =	task [dreg:s6], $0x5FFFF  }
0xac: {  	[dreg:$0x1] =	wrdreg $0xFFFFFFFF  }
0xad: {  	[dreg:$0x0] =	wrdreg $0x60  }
0xae: {  	[dreg:$0x2] =	wrdreg s24  }
0xaf: {  	[dreg:$0x3] =	wrdreg $0x181000  }
0xb0: {  	[dreg:$0x4] =	wrdreg $0x189000  }
0xb1: {  	[dreg:$0x5] =	wrdreg $0x9  }
0xb2: {  	_ =	task.clear_ibuf [dreg:s6], $0x6FFFF;
	_ =	strace $0x90000046  }
0xb3: {  	s29 =	simm.s32 $0x9;
	_ =	strace $0x80000048  }
0xb4: {  	_ =	swait.ge [sflag:s29], $0x1  }
0xb5: {  	[sflag:s29] =	ssyncadd.s32 $0xFFFFFFFF  }
0xb6: {  	_ =	strace $0x90000048  }
0xb7: {  	_ =	sfence  }
0xb8: {  	s30 =	sld [smem:$0x0];
	_ =	sdelay $0x2  }
0xb9: {  	s31 =	sshll.u32 s1, $0xD;
	s1 =	sshrl.u32 s1, $0x2  }
0xba: {  	s3 =	sand.u32 $0x4000, s31;
	s1 =	sadd.s32 s1, s30  }
0xbb: {  	s0 =	sor.u32 s3, s0;
	s1 =	sshll.u32 s1, $0x11  }
0xbc: {  	s0 =	sor.u32 s1, s0  }
0xbd: {  	s0 =	sadd.s32 $0x8F2B, s0  }
0xbe: {  	[sflag:s0] =	ssyncadd.remote.s32 $0x1  }
0xbf: {  	_ =	sfence.sel $0xFFFF  }
0xc0: {  	[dreg:$0x0] =	wrdreg $0xFFFFFFFF;
	(pc) =	sbr.abs _section_cstart, $3  }
0xc1: {  	[dreg:$0x1] =	wrdreg $0xFFFFFFFF  }
0xc2: {  	_ =	task.clear_ibuf [dreg:s6], $0x2FFFF;
	_ =	strace $0x9FFFFFFF  }
0xc3: {  	(tm) =	ssettm $0x7FFFFFFF  }
tec
execute0_lowered:
.L_overlay_start_1:
0x0: {  	(tag) =	ssettag $0x1  }
0x1: {  	s4 =	rddreg [dreg:$0x0]  }
0x2: {  	s1 =	rddreg [dreg:$0x1]  }
0x3: {  	s2 =	rddreg [dreg:$0x2]  }
0x4: {  	s0 =	rddreg [dreg:$0x3];
	s3 =	simm.s32 $0x0;
	s5 =	srdreg.scid  }
0x5: {  	s9 =	stileid.u32;
	s10 =	simm.s32 $0x8000;
	s11 =	simm.s32 $0x10000  }
0x6: {  	s12 =	simm.s32 $0x80;
	s13 =	simm.s32 $0x18000;
	s14 =	simm.s32 $0x18080  }
0x7: {  	v0 =	vimm.s32 $0x0;
	s15 =	simm.s32 $0xC000;
	s16 =	simm.s32 $0x14000;
	[smem:$0x7FF] =	sst s3  }
0x8: {  	v1 =	vimm.f32 $0.0e+00;
	v2 =	vimm.s32 $0x1;
	v3 =	vlaneseq.u32;
	s5 =	sand.u32 $0x1, s5;
	s6 =	sshll.u32 s9, $0xD;
	p0 =	sne.s32 s9, $0x0  }
0x9: {  	v4 =	vor.u32 $0x80, v3;
	v5 =	vor.u32 $0x10, v3;
	v6 =	vor.u32 $0x90, v3;
	s9 =	simm.s32 $0x1;
	_ =	strace $0x80000047;
	s7 =	sshll.u32 s5, $0x11  }
0xa: {  	v7 =	vor.u32 $0x20, v3;
	v8 =	vor.u32 $0xA0, v3;
	v9 =	vor.u32 $0x30, v3;
	s30 =	sshll.u32 s5, $0xC;
	s5 =	ssub.s32 $0x2, s5;
	s6 =	sor.u32 s7, s6  }
0xb: {  	v10 =	vor.u32 $0xB0, v3;
	v11 =	vor.u32 $0x40, v3;
	v12 =	vor.u32 $0xC0, v3;
	s7 =	sadd.s32 s30, s4;
	s31 =	sshrl.u32 s5, $0x1;
	s6 =	sadd.s32 s6, s4  }
0xc: {  	v13 =	vor.u32 $0x50, v3;
	v14 =	vor.u32 $0xD0, v3;
	v15 =	vor.u32 $0x60, v3;
	s8 =	ssub.s32 s5, s31;
	s4 =	sadd.s32 $0x1000, s6;
	s5 =	sadd.s32 $0x2000, s6  }
0xd: {  	v16 =	vor.u32 $0xE0, v3;
	v17 =	vor.u32 $0x70, v3;
	v18 =	vor.u32 $0xF0, v3;
	s6 =	sadd.s32 $0x41000, s7;
	s7 =	sadd.s32 $0x43000, s7;
	s8 =	smax.u32 s8, $0x1  }
.LBB2_1:
0xe: {  	s19 =	simm.s32 $0x8100  }
0xf: {  	[tilespmem:s19+$0xFFFFFF80] =	vst v0  }
0x10: {  	[tilespmem:s19+$0xFFFFFF00] =	vst v0  }
0x11: {  	[tilespmem:s19+$0x0] =	vst v0  }
0x12: {  	s17 =	simm.s32 $0x10100;
	[tilespmem:s19+$0x80] =	vst v0  }
0x13: {  	[tilespmem:s17+$0x80] =	vst v1  }
0x14: {  	[tilespmem:s17+$0xFFFFFF00] =	vst v1  }
0x15: {  	[tilespmem:s17+$0xFFFFFF80] =	vst v1  }
0x16: {  	[tilespmem:s17+$0x0] =	vst v1  }
0x17: {  	[tilespmem:s19+$0x90] =	vst v0  }
0x18: {  	[tilespmem:s19+$0xFFFFFF10] =	vst v0  }
0x19: {  	[tilespmem:s19+$0xFFFFFF90] =	vst v0  }
0x1a: {  	[tilespmem:s17+$0x90] =	vst v1  }
0x1b: {  	[tilespmem:s17+$0xFFFFFF10] =	vst v1  }
0x1c: {  	[tilespmem:s17+$0xFFFFFF90] =	vst v1  }
0x1d: {  	[tilespmem:s19+$0xA0] =	vst v0  }
0x1e: {  	[tilespmem:s19+$0xFFFFFFA0] =	vst v0  }
0x1f: {  	[tilespmem:s19+$0xFFFFFF20] =	vst v0  }
0x20: {  	[tilespmem:s17+$0xA0] =	vst v1  }
0x21: {  	[tilespmem:s17+$0xFFFFFFA0] =	vst v1  }
0x22: {  	[tilespmem:s17+$0xFFFFFF20] =	vst v1  }
0x23: {  	[tilespmem:s19+$0xB0] =	vst v0  }
0x24: {  	[tilespmem:s19+$0xFFFFFFB0] =	vst v0  }
0x25: {  	[tilespmem:s19+$0xFFFFFF30] =	vst v0  }
0x26: {  	s20 =	simm.s32 $0x0;
	s21 =	simm.s32 $0x10100;
	s18 =	simm.s32 $0x8100;
	[tilespmem:s17+$0xB0] =	vst v1  }
.LBB2_2:
0x27: {  	s20 =	sadd.s32 $0x4, s20;
	[tilespmem:s17+$0xFFFFFFB0] =	vst v1;
	s19 =	sadd.s32 $0x200, s19;
	s21 =	sadd.s32 $0x200, s21  }
0x28: {  	p1 =	slt.u32 s20, $0xFC;
	[tilespmem:s18+$0x10] =	vst v0  }
0x29: {  	[tilespmem:s18+$0xFFFFFFC0] =	vst v0  }
0x2a: {  	[tilespmem:s17+$0xFFFFFFC0] =	vst v1  }
0x2b: {  	[tilespmem:s18+$0xFFFFFFD0] =	vst v0  }
0x2c: {  	[tilespmem:s17+$0xFFFFFFD0] =	vst v1  }
0x2d: {  	[tilespmem:s18+$0xFFFFFFE0] =	vst v0  }
0x2e: {  	[tilespmem:s17+$0x10] =	vst v1  }
0x2f: {  	[tilespmem:s18+$0x20] =	vst v0  }
0x30: {  	[tilespmem:s17+$0x20] =	vst v1  }
0x31: {  	[tilespmem:s18+$0x30] =	vst v0  }
0x32: {  	[tilespmem:s17+$0x30] =	vst v1  }
0x33: {  	[tilespmem:s19+$0xFFFFFF80] =	vst v0  }
0x34: {  	[tilespmem:s17+$0xFFFFFF30] =	vst v1  }
0x35: {  	[tilespmem:s18+$0xC0] =	vst v0  }
0x36: {  	[tilespmem:s17+$0xC0] =	vst v1  }
0x37: {  	[tilespmem:s18+$0xD0] =	vst v0  }
0x38: {  	[tilespmem:s18+$0x40] =	vst v0  }
0x39: {  	[tilespmem:s17+$0x40] =	vst v1  }
0x3a: {  	[tilespmem:s18+$0x50] =	vst v0  }
0x3b: {  	[tilespmem:s17+$0xFFFFFFE0] =	vst v1  }
0x3c: {  	[tilespmem:s18+$0xFFFFFFF0] =	vst v0  }
0x3d: {  	[tilespmem:s17+$0x50] =	vst v1  }
0x3e: {  	[tilespmem:s18+$0xFFFFFF40] =	vst v0  }
0x3f: {  	[tilespmem:s17+$0xFFFFFF40] =	vst v1  }
0x40: {  	[tilespmem:s18+$0xFFFFFF50] =	vst v0  }
0x41: {  	[tilespmem:s17+$0xFFFFFF50] =	vst v1  }
0x42: {  	[tilespmem:s18+$0x60] =	vst v0  }
0x43: {  	[tilespmem:s17+$0xFFFFFFF0] =	vst v1  }
0x44: {  	[tilespmem:s17+$0xD0] =	vst v1  }
0x45: {  	[tilespmem:s18+$0xFFFFFF60] =	vst v0  }
0x46: {  	[tilespmem:s17+$0x60] =	vst v1  }
0x47: {  	[tilespmem:s18+$0x70] =	vst v0  }
0x48: {  	[tilespmem:s18+$0xE0] =	vst v0  }
0x49: {  	[tilespmem:s17+$0xE0] =	vst v1  }
0x4a: {  	[tilespmem:s18+$0xF0] =	vst v0  }
0x4b: {  	[tilespmem:s17+$0x70] =	vst v1  }
0x4c: {  	[tilespmem:s17+$0xFFFFFF60] =	vst v1  }
0x4d: {  	[tilespmem:s18+$0xFFFFFF70] =	vst v0;
	s18 =	smov.u32 s19  }
0x4e: {  	[tilespmem:s17+$0xFFFFFF70] =	vst v1  }
0x4f: {  	[tilespmem:s17+$0xF0] =	vst v1;
	s17 =	smov.u32 s21  }
0x50: {  	[tilespmem:s19+$0xFFFFFF00] =	vst v0  }
0x51: {  	[tilespmem:s19+$0x0] =	vst v0  }
0x52: {  	[tilespmem:s19+$0x80] =	vst v0  }
0x53: {  	[tilespmem:s21+$0x80] =	vst v1  }
0x54: {  	[tilespmem:s19+$0x90] =	vst v0  }
0x55: {  	[tilespmem:s21+$0x90] =	vst v1  }
0x56: {  	[tilespmem:s19+$0xA0] =	vst v0  }
0x57: {  	[tilespmem:s21+$0xFFFFFF00] =	vst v1  }
0x58: {  	[tilespmem:s19+$0xFFFFFF10] =	vst v0  }
0x59: {  	[tilespmem:s21+$0xFFFFFF10] =	vst v1  }
0x5a: {  	[tilespmem:s21+$0xA0] =	vst v1  }
0x5b: {  	[tilespmem:s19+$0xB0] =	vst v0  }
0x5c: {  	[tilespmem:s21+$0xFFFFFF80] =	vst v1  }
0x5d: {  	[tilespmem:s21+$0xB0] =	vst v1  }
0x5e: {  	[tilespmem:s21+$0x0] =	vst v1  }
0x5f: {  	[tilespmem:s19+$0xFFFFFF90] =	vst v0  }
0x60: {  	[tilespmem:s21+$0xFFFFFF90] =	vst v1  }
0x61: {  	[tilespmem:s19+$0xFFFFFFA0] =	vst v0  }
.Ltmp0:
0x62: {  	[tilespmem:s21+$0xFFFFFFA0] =	vst v1;
	(pc) =	sbr.rel @p1 .LBB2_2-.Ltmp0, $4  }
0x63: {  	[tilespmem:s19+$0xFFFFFFB0] =	vst v0  }
0x64: {  	[tilespmem:s19+$0xFFFFFF20] =	vst v0  }
0x65: {  	[tilespmem:s21+$0xFFFFFF20] =	vst v1  }
0x66: {  	[tilespmem:s19+$0xFFFFFF30] =	vst v0  }
0x67: {  	[tilespmem:s17+$0xFFFFFFB0] =	vst v1  }
0x68: {  	[tilespmem:s18+$0x10] =	vst v0  }
0x69: {  	[tilespmem:s17+$0xFFFFFF30] =	vst v1  }
0x6a: {  	[tilespmem:s18+$0xC0] =	vst v0  }
0x6b: {  	[tilespmem:s18+$0xFFFFFFC0] =	vst v0  }
0x6c: {  	[tilespmem:s17+$0x10] =	vst v1  }
0x6d: {  	[tilespmem:s17+$0xC0] =	vst v1  }
0x6e: {  	[tilespmem:s18+$0xFFFFFF40] =	vst v0  }
0x6f: {  	[tilespmem:s17+$0xFFFFFFC0] =	vst v1  }
0x70: {  	[tilespmem:s18+$0x20] =	vst v0  }
0x71: {  	[tilespmem:s18+$0xD0] =	vst v0  }
0x72: {  	[tilespmem:s17+$0xFFFFFF40] =	vst v1  }
0x73: {  	[tilespmem:s18+$0xFFFFFFD0] =	vst v0  }
0x74: {  	[tilespmem:s17+$0x20] =	vst v1  }
0x75: {  	[tilespmem:s18+$0xFFFFFF50] =	vst v0  }
0x76: {  	[tilespmem:s17+$0xD0] =	vst v1  }
0x77: {  	[tilespmem:s17+$0xFFFFFFD0] =	vst v1  }
0x78: {  	[tilespmem:s18+$0x30] =	vst v0  }
0x79: {  	[tilespmem:s17+$0xFFFFFF50] =	vst v1  }
0x7a: {  	[tilespmem:s18+$0xE0] =	vst v0  }
0x7b: {  	[tilespmem:s18+$0xFFFFFFE0] =	vst v0  }
0x7c: {  	[tilespmem:s17+$0x30] =	vst v1  }
0x7d: {  	[tilespmem:s18+$0xFFFFFF60] =	vst v0  }
0x7e: {  	[tilespmem:s17+$0xE0] =	vst v1  }
0x7f: {  	[tilespmem:s18+$0x40] =	vst v0  }
0x80: {  	[tilespmem:s17+$0xFFFFFFE0] =	vst v1  }
0x81: {  	[tilespmem:s18+$0xF0] =	vst v0  }
0x82: {  	[tilespmem:s17+$0xFFFFFF60] =	vst v1  }
0x83: {  	[tilespmem:s17+$0x40] =	vst v1  }
0x84: {  	[tilespmem:s18+$0xFFFFFFF0] =	vst v0  }
0x85: {  	[tilespmem:s18+$0xFFFFFF70] =	vst v0  }
0x86: {  	[tilespmem:s17+$0xF0] =	vst v1  }
0x87: {  	[tilespmem:s18+$0x50] =	vst v0  }
0x88: {  	[tilespmem:s17+$0xFFFFFFF0] =	vst v1  }
0x89: {  	[tilespmem:s17+$0xFFFFFF70] =	vst v1  }
0x8a: {  	[tilespmem:s17+$0x50] =	vst v1  }
0x8b: {  	[tilespmem:s18+$0x60] =	vst v0  }
0x8c: {  	[tilespmem:s17+$0x60] =	vst v1  }
0x8d: {  	[tilespmem:s18+$0x70] =	vst v0  }
0x8e: {  	[tilespmem:s17+$0x70] =	vst v1;
	s17 =	simm.s32 @!p0 $0x8000  }
0x8f: {  	[spmem:s1] =	stream.linear.scatter @!p0 [tilespmem:s17], [sflag:$0x1], $0x8000, $0x38;
	[tilespmem:$0x19100] =	vst v63  }
0x90: {  	s17 =	simm.s32 @!p0 $0x1  }
0x91: {  	_ =	swait.ge @!p0 [sflag:s17], $0x8000  }
0x92: {  	[sflag:s17] =	ssyncset.done @!p0 $0x0  }
0x93: {  	s18 =	simm.s32 @!p0 $0x10000;
	[sflag:s17] =	ssyncadd.s32 @!p0 $0xFFFF8000  }
0x94: {  	[spmem:s2] =	stream.linear.scatter @!p0 [tilespmem:s18], [sflag:$0x1], $0x8000, $0x38;
	[tilespmem:$0x19100] =	vst v63  }
0x95: {  	_ =	swait.ge @!p0 [sflag:s17], $0x8000  }
0x96: {  	[sflag:s17] =	ssyncset.done @!p0 $0x0  }
0x97: {  	[sflag:s17] =	ssyncadd.s32 @!p0 $0xFFFF8000  }
0x98: {  	s17 =	simm.s32 $0x0;
	[bflag:$0x0] =	sbarrier.arrive $0xFFFF  }
0x99: {  	[tilespmem:s17], [sflag:$0x1] =	stream.linear.gather [hbm4b:s4+s17], $0x8000, $0x38;
	[tilespmem:$0x19100] =	vst v63  }
0x9a: {  	s31 =	sand.u32 $0x7000, s17;
	s19 =	sand.u32 $0xC00, s17;
	_ =	swait.ge [sflag:s9], $0x8000  }
0x9b: {  	s20 =	sand.u32 $0x380, s17;
	s18 =	sor.u32 s19, s31;
	[sflag:s9] =	ssyncset.done $0x0  }
0x9c: {  	s18 =	sor.u32 s20, s18;
	[sflag:s9] =	ssyncadd.s32 $0xFFFF8000  }
0x9d: {  	v22 =	vld [tilespmem:s18+$0x70]  }
0x9e: {  	v23 =	vld [tilespmem:s18+$0x0]  }
0x9f: {  	v25 =	vld [tilespmem:s18+$0x10];
	_ =	sdelay $0x1  }
0xa0: {  	v26 =	vld [tilespmem:s18+$0x20]  }
0xa1: {  	v24 =	vshrl.u32 v22, $0x10  }
0xa2: {  	v27 =	vld [tilespmem:s18+$0x30];
	v28 =	vshrl.u32 v23, $0x10  }
0xa3: {  	v21 =	vld [tilespmem:s18+$0x40];
	v29 =	vshrl.u32 v25, $0x10  }
0xa4: {  	v20 =	vld [tilespmem:s18+$0x50]  }
0xa5: {  	v19 =	vld [tilespmem:s18+$0x60];
	v30 =	vshrl.u32 v26, $0x10  }
0xa6: {  	[tilespmem:v24+s10+$0x0] =	vst.idx.add.s32.msk $0xffff, v2  }
0xa7: {  	[tilespmem:v28+s10+$0x0] =	vst.idx.add.s32.msk $0xffff, v2  }
0xa8: {  	[tilespmem:v29+s10+$0x0] =	vst.idx.add.s32.msk $0xffff, v2  }
0xa9: {  	[tilespmem:v24+s11+$0x0] =	vst.idx.add.f32.msk $0xffff, v22;
	v22 =	vshrl.u32 v27, $0x10  }
0xaa: {  	[tilespmem:v30+s10+$0x0] =	vst.idx.add.s32.msk $0xffff, v2;
	v24 =	vshrl.u32 v21, $0x10  }
0xab: {  	[tilespmem:v28+s11+$0x0] =	vst.idx.add.f32.msk $0xffff, v23  }
0xac: {  	[tilespmem:v29+s11+$0x0] =	vst.idx.add.f32.msk $0xffff, v25  }
0xad: {  	[tilespmem:v30+s11+$0x0] =	vst.idx.add.f32.msk $0xffff, v26;
	v23 =	vshrl.u32 v20, $0x10  }
0xae: {  	[tilespmem:v22+s10+$0x0] =	vst.idx.add.s32.msk $0xffff, v2  }
0xaf: {  	[tilespmem:v24+s10+$0x0] =	vst.idx.add.s32.msk $0xffff, v2  }
0xb0: {  	s19 =	simm.s32 $0x400;
	s20 =	simm.s32 $0x80;
	s18 =	simm.s32 $0x0;
	[tilespmem:v22+s11+$0x0] =	vst.idx.add.f32.msk $0xffff, v27;
	v22 =	vshrl.u32 v19, $0x10  }
.LBB2_4:
0xb1: {  	s21 =	sand.u32 $0x7000, s20;
	s22 =	sand.u32 $0xC00, s19;
	[tilespmem:v24+s11+$0x0] =	vst.idx.add.f32.msk $0xffff, v21;
	s17 =	sadd.s32 $0x20, s17  }
0xb2: {  	s18 =	sadd.s32 $0x8, s18;
	s23 =	sand.u32 $0x380, s17;
	s21 =	sor.u32 s22, s21;
	[tilespmem:v23+s10+$0x0] =	vst.idx.add.s32.msk $0xffff, v2  }
0xb3: {  	p1 =	slt.u32 s18, $0x7F8;
	s21 =	sor.u32 s23, s21;
	[tilespmem:v23+s11+$0x0] =	vst.idx.add.f32.msk $0xffff, v20  }
0xb4: {  	v25 =	vld [tilespmem:s21+$0x70]  }
0xb5: {  	v26 =	vld [tilespmem:s21+$0x0]  }
0xb6: {  	v27 =	vld [tilespmem:s21+$0x10]  }
0xb7: {  	v28 =	vld [tilespmem:s21+$0x20]  }
0xb8: {  	v29 =	vld [tilespmem:s21+$0x30]  }
0xb9: {  	v21 =	vld [tilespmem:s21+$0x40];
	v30 =	vshrl.u32 v25, $0x10  }
0xba: {  	v31 =	vshrl.u32 v26, $0x10;
	v20 =	vld [tilespmem:s21+$0x50]  }
0xbb: {  	v32 =	vshrl.u32 v27, $0x10;
	v33 =	vld [tilespmem:s21+$0x60]  }
0xbc: {  	v34 =	vshrl.u32 v28, $0x10;
	[tilespmem:v22+s10+$0x0] =	vst.idx.add.s32.msk $0xffff, v2  }
0xbd: {  	v35 =	vshrl.u32 v29, $0x10;
	[tilespmem:v22+s11+$0x0] =	vst.idx.add.f32.msk $0xffff, v19  }
0xbe: {  	v24 =	vshrl.u32 v21, $0x10;
	[tilespmem:v30+s10+$0x0] =	vst.idx.add.s32.msk $0xffff, v2  }
0xbf: {  	v23 =	vshrl.u32 v20, $0x10;
	[tilespmem:v30+s11+$0x0] =	vst.idx.add.f32.msk $0xffff, v25  }
0xc0: {  	[tilespmem:v31+s10+$0x0] =	vst.idx.add.s32.msk $0xffff, v2;
	v22 =	vshrl.u32 v33, $0x10;
	v19 =	vmov v33  }
0xc1: {  	[tilespmem:v31+s11+$0x0] =	vst.idx.add.f32.msk $0xffff, v26  }
0xc2: {  	[tilespmem:v32+s10+$0x0] =	vst.idx.add.s32.msk $0xffff, v2  }
0xc3: {  	[tilespmem:v32+s11+$0x0] =	vst.idx.add.f32.msk $0xffff, v27  }
.Ltmp1:
0xc4: {  	[tilespmem:v34+s10+$0x0] =	vst.idx.add.s32.msk $0xffff, v2;
	(pc) =	sbr.rel @p1 .LBB2_4-.Ltmp1, $4  }
0xc5: {  	[tilespmem:v34+s11+$0x0] =	vst.idx.add.f32.msk $0xffff, v28  }
0xc6: {  	[tilespmem:v35+s10+$0x0] =	vst.idx.add.s32.msk $0xffff, v2  }
0xc7: {  	[tilespmem:v35+s11+$0x0] =	vst.idx.add.f32.msk $0xffff, v29  }
0xc8: {  	s19 =	sadd.s32 $0x400, s19;
	s20 =	sadd.s32 $0x80, s20;
	[tilespmem:v24+s10+$0x0] =	vst.idx.add.s32.msk $0xffff, v2  }
0xc9: {  	_ =	sdelay $0x3  }
0xca: {  	[tilespmem:v24+s11+$0x0] =	vst.idx.add.f32.msk $0xffff, v21  }
0xcb: {  	[tilespmem:v23+s10+$0x0] =	vst.idx.add.s32.msk $0xffff, v2  }
0xcc: {  	[tilespmem:v22+s10+$0x0] =	vst.idx.add.s32.msk $0xffff, v2  }
0xcd: {  	[tilespmem:v23+s11+$0x0] =	vst.idx.add.f32.msk $0xffff, v20  }
0xce: {  	s17 =	simm.s32 $0x0;
	[tilespmem:v22+s11+$0x0] =	vst.idx.add.f32.msk $0xffff, v19  }
0xcf: {  	[tilespmem:s17], [sflag:$0x1] =	stream.linear.gather [hbm4b:s5+s17], $0x8000, $0x38;
	[tilespmem:$0x19100] =	vst v63  }
0xd0: {  	s18 =	sand.u32 $0x7000, s17;
	s19 =	sand.u32 $0xC00, s17;
	_ =	swait.ge [sflag:s9], $0x8000  }
0xd1: {  	s20 =	sand.u32 $0x380, s17;
	s18 =	sor.u32 s19, s18;
	[sflag:s9] =	ssyncset.done $0x0  }
0xd2: {  	s18 =	sor.u32 s20, s18;
	[sflag:s9] =	ssyncadd.s32 $0xFFFF8000  }
0xd3: {  	v22 =	vld [tilespmem:s18+$0x70]  }
0xd4: {  	v23 =	vld [tilespmem:s18+$0x0]  }
0xd5: {  	v25 =	vld [tilespmem:s18+$0x10];
	_ =	sdelay $0x1  }
0xd6: {  	v26 =	vld [tilespmem:s18+$0x20]  }
0xd7: {  	v24 =	vshrl.u32 v22, $0x10  }
0xd8: {  	v27 =	vld [tilespmem:s18+$0x30];
	v28 =	vshrl.u32 v23, $0x10  }
0xd9: {  	v21 =	vld [tilespmem:s18+$0x40];
	v29 =	vshrl.u32 v25, $0x10  }
0xda: {  	v20 =	vld [tilespmem:s18+$0x50]  }
0xdb: {  	v19 =	vld [tilespmem:s18+$0x60];
	v30 =	vshrl.u32 v26, $0x10  }
0xdc: {  	[tilespmem:v24+s10+$0x0] =	vst.idx.add.s32.msk $0xffff, v2  }
0xdd: {  	[tilespmem:v28+s10+$0x0] =	vst.idx.add.s32.msk $0xffff, v2  }
0xde: {  	[tilespmem:v29+s10+$0x0] =	vst.idx.add.s32.msk $0xffff, v2  }
0xdf: {  	[tilespmem:v24+s11+$0x0] =	vst.idx.add.f32.msk $0xffff, v22;
	v22 =	vshrl.u32 v27, $0x10  }
0xe0: {  	[tilespmem:v30+s10+$0x0] =	vst.idx.add.s32.msk $0xffff, v2;
	v24 =	vshrl.u32 v21, $0x10  }
0xe1: {  	[tilespmem:v28+s11+$0x0] =	vst.idx.add.f32.msk $0xffff, v23  }
0xe2: {  	[tilespmem:v29+s11+$0x0] =	vst.idx.add.f32.msk $0xffff, v25  }
0xe3: {  	[tilespmem:v30+s11+$0x0] =	vst.idx.add.f32.msk $0xffff, v26;
	v23 =	vshrl.u32 v20, $0x10  }
0xe4: {  	[tilespmem:v22+s10+$0x0] =	vst.idx.add.s32.msk $0xffff, v2  }
0xe5: {  	[tilespmem:v24+s10+$0x0] =	vst.idx.add.s32.msk $0xffff, v2  }
0xe6: {  	s19 =	simm.s32 $0x400;
	s20 =	simm.s32 $0x80;
	s18 =	simm.s32 $0x0;
	[tilespmem:v22+s11+$0x0] =	vst.idx.add.f32.msk $0xffff, v27;
	v22 =	vshrl.u32 v19, $0x10  }
.LBB2_6:
0xe7: {  	s21 =	sand.u32 $0x7000, s20;
	s22 =	sand.u32 $0xC00, s19;
	[tilespmem:v24+s11+$0x0] =	vst.idx.add.f32.msk $0xffff, v21;
	s17 =	sadd.s32 $0x20, s17  }
0xe8: {  	s18 =	sadd.s32 $0x8, s18;
	s23 =	sand.u32 $0x380, s17;
	s21 =	sor.u32 s22, s21;
	[tilespmem:v23+s10+$0x0] =	vst.idx.add.s32.msk $0xffff, v2  }
0xe9: {  	p1 =	slt.u32 s18, $0x7F8;
	s21 =	sor.u32 s23, s21;
	[tilespmem:v23+s11+$0x0] =	vst.idx.add.f32.msk $0xffff, v20  }
0xea: {  	v25 =	vld [tilespmem:s21+$0x70]  }
0xeb: {  	v26 =	vld [tilespmem:s21+$0x0]  }
0xec: {  	v27 =	vld [tilespmem:s21+$0x10]  }
0xed: {  	v28 =	vld [tilespmem:s21+$0x20]  }
0xee: {  	v29 =	vld [tilespmem:s21+$0x30]  }
0xef: {  	v21 =	vld [tilespmem:s21+$0x40];
	v30 =	vshrl.u32 v25, $0x10  }
0xf0: {  	v31 =	vshrl.u32 v26, $0x10;
	v20 =	vld [tilespmem:s21+$0x50]  }
0xf1: {  	v32 =	vshrl.u32 v27, $0x10;
	v33 =	vld [tilespmem:s21+$0x60]  }
0xf2: {  	v34 =	vshrl.u32 v28, $0x10;
	[tilespmem:v22+s10+$0x0] =	vst.idx.add.s32.msk $0xffff, v2  }
0xf3: {  	v35 =	vshrl.u32 v29, $0x10;
	[tilespmem:v22+s11+$0x0] =	vst.idx.add.f32.msk $0xffff, v19  }
0xf4: {  	v24 =	vshrl.u32 v21, $0x10;
	[tilespmem:v30+s10+$0x0] =	vst.idx.add.s32.msk $0xffff, v2  }
0xf5: {  	v23 =	vshrl.u32 v20, $0x10;
	[tilespmem:v30+s11+$0x0] =	vst.idx.add.f32.msk $0xffff, v25  }
0xf6: {  	[tilespmem:v31+s10+$0x0] =	vst.idx.add.s32.msk $0xffff, v2;
	v22 =	vshrl.u32 v33, $0x10;
	v19 =	vmov v33  }
0xf7: {  	[tilespmem:v31+s11+$0x0] =	vst.idx.add.f32.msk $0xffff, v26  }
0xf8: {  	[tilespmem:v32+s10+$0x0] =	vst.idx.add.s32.msk $0xffff, v2  }
0xf9: {  	[tilespmem:v32+s11+$0x0] =	vst.idx.add.f32.msk $0xffff, v27  }
.Ltmp2:
0xfa: {  	[tilespmem:v34+s10+$0x0] =	vst.idx.add.s32.msk $0xffff, v2;
	(pc) =	sbr.rel @p1 .LBB2_6-.Ltmp2, $4  }
0xfb: {  	[tilespmem:v34+s11+$0x0] =	vst.idx.add.f32.msk $0xffff, v28  }
0xfc: {  	[tilespmem:v35+s10+$0x0] =	vst.idx.add.s32.msk $0xffff, v2  }
0xfd: {  	[tilespmem:v35+s11+$0x0] =	vst.idx.add.f32.msk $0xffff, v29  }
0xfe: {  	s19 =	sadd.s32 $0x400, s19;
	s20 =	sadd.s32 $0x80, s20;
	[tilespmem:v24+s10+$0x0] =	vst.idx.add.s32.msk $0xffff, v2  }
0xff: {  	_ =	sdelay $0x3  }
0x100: {  	[tilespmem:v24+s11+$0x0] =	vst.idx.add.f32.msk $0xffff, v21  }
0x101: {  	[tilespmem:v23+s10+$0x0] =	vst.idx.add.s32.msk $0xffff, v2  }
0x102: {  	[tilespmem:v22+s10+$0x0] =	vst.idx.add.s32.msk $0xffff, v2  }
0x103: {  	[tilespmem:v23+s11+$0x0] =	vst.idx.add.f32.msk $0xffff, v20  }
0x104: {  	[tilespmem:v22+s11+$0x0] =	vst.idx.add.f32.msk $0xffff, v19  }
0x105: {  	[tilespmem:$0x18000] =	vst v3  }
0x106: {  	[tilespmem:$0x18080] =	vst v4  }
0x107: {  	[tilespmem:$0x18010] =	vst v5  }
0x108: {  	[tilespmem:$0x18090] =	vst v6  }
0x109: {  	[tilespmem:$0x18020] =	vst v7  }
0x10a: {  	[tilespmem:$0x180A0] =	vst v8  }
0x10b: {  	[tilespmem:$0x18030] =	vst v9  }
0x10c: {  	[tilespmem:$0x180B0] =	vst v10  }
0x10d: {  	[tilespmem:$0x18040] =	vst v11  }
0x10e: {  	[tilespmem:$0x180C0] =	vst v12  }
0x10f: {  	[tilespmem:$0x18050] =	vst v13  }
0x110: {  	[tilespmem:$0x180D0] =	vst v14  }
0x111: {  	[tilespmem:$0x18060] =	vst v15  }
0x112: {  	[tilespmem:$0x180E0] =	vst v16  }
0x113: {  	[tilespmem:$0x18070] =	vst v17  }
0x114: {  	[tilespmem:$0x180F0] =	vst v18  }
0x115: {  	[spmem:s1] =	stream.indirect.scatter.add.s32 [tilespmem:s10], [sflag:$0x1], $0x80, s13, s12, $0xb8;
	[tilespmem:$0x19100] =	vst v63  }
0x116: {  	_ =	swait.ge [sflag:s9], $0x4000  }
0x117: {  	[sflag:s9] =	ssyncset.done $0x0  }
0x118: {  	[sflag:s9] =	ssyncadd.s32 $0xFFFFC000  }
0x119: {  	[spmem:s1] =	stream.indirect.scatter.add.s32 [tilespmem:s15], [sflag:$0x1], $0x80, s14, s12, $0xb8;
	[tilespmem:$0x19100] =	vst v63  }
0x11a: {  	_ =	swait.ge [sflag:s9], $0x4000  }
0x11b: {  	[sflag:s9] =	ssyncset.done $0x0  }
0x11c: {  	[sflag:s9] =	ssyncadd.s32 $0xFFFFC000  }
0x11d: {  	[spmem:s2] =	stream.indirect.scatter.add.f32 [tilespmem:s11], [sflag:$0x1], $0x80, s13, s12, $0xb8;
	[tilespmem:$0x19100] =	vst v63  }
0x11e: {  	_ =	swait.ge [sflag:s9], $0x4000  }
0x11f: {  	[sflag:s9] =	ssyncset.done $0x0  }
0x120: {  	[sflag:s9] =	ssyncadd.s32 $0xFFFFC000  }
0x121: {  	[spmem:s2] =	stream.indirect.scatter.add.f32 [tilespmem:s16], [sflag:$0x1], $0x80, s14, s12, $0xb8;
	[tilespmem:$0x19100] =	vst v63  }
0x122: {  	_ =	swait.ge [sflag:s9], $0x4000  }
0x123: {  	[sflag:s9] =	ssyncset.done $0x0  }
0x124: {  	[sflag:s9] =	ssyncadd.s32 $0xFFFFC000  }
0x125: {  	s17 =	sshrl.u32 @!p0 s1, $0x3;
	s18 =	simm.s32 @!p0 $0x1C01;
	[bflag:$0x0] =	sbarrier.arrive $0xFFFF  }
0x126: {  	[hbm:s6], [sflag:s18] =	dma.local @!p0 [spmem:s17], $0x1000  }
0x127: {  	s17 =	simm.s32 @!p0 $0x1  }
0x128: {  	s3 =	sadd.s32 $0x1, s3;
	_ =	swait.ge @!p0 [sflag:s17], $0x1000  }
0x129: {  	p1 =	sne.s32 s3, s8;
	[sflag:s17] =	ssyncset.done @!p0 $0x0  }
.Ltmp3:
0x12a: {  	s19 =	sshrl.u32 @!p0 s2, $0x3;
	[sflag:s17] =	ssyncadd.s32 @!p0 $0xFFFFF000;
	(pc) =	sbr.rel @p1 .LBB2_1-.Ltmp3, $4  }
0x12b: {  	[hbm:s7], [sflag:s18] =	dma.local @!p0 [spmem:s19], $0x1000  }
0x12c: {  	_ =	swait.ge @!p0 [sflag:s17], $0x1000  }
0x12d: {  	[sflag:s17] =	ssyncset.done @!p0 $0x0  }
0x12e: {  	[sflag:s17] =	ssyncadd.s32 @!p0 $0xFFFFF000  }
0x12f: {  	_ =	sfence.sel $0x180000  }
0x130: {  	[bflag:$0x0] =	sbarrier.arrive $0xFFFF  }
0x131: {  	_ =	strace $0x90000047  }
0x132: {  	s0 =	sadd.s32 @!p0 $0x100000, s0;
	[bflag:$0x2] =	sbarrier.arrive $0xFFFF  }
0x133: {  	[sflag:s0] =	ssyncadd.tile.s32 @!p0 $0x1;
	_ =	shalt  }
.Lfunc_end2:
_tile_overlayer_lowered:
.L_overlay_start_2:
0x134: {  	(tag) =	ssettag $0x2  }
0x135: {  	s0 =	rddreg [dreg:$0x0];
	s2 =	stileid.u32  }
0x136: {  	s1 =	rddreg [dreg:$0x1];
	p0 =	sne.s32 s2, $0x0  }
0x137: {  	s3 =	rddreg [dreg:$0x2];
	[bflag:$0x3] =	sbarrier.arrive $0xFFFF;
	s2 =	simm.s32 @!p0 $0x1C01  }
0x138: {  	[timem:s3], [sflag:s2] =	dma.local @!p0 [hbm:s0], s1  }
0x139: {  	s0 =	simm.s32 @!p0 $0x1  }
0x13a: {  	_ =	swait.ge @!p0 [sflag:s0], s1  }
0x13b: {  	s1 =	ssub.s32 @!p0 $0x0, s1;
	[sflag:s0] =	ssyncset.done @!p0 $0x0  }
0x13c: {  	[sflag:s0] =	ssyncadd.s32 @!p0 s1  }
0x13d: {  	[bflag:$0x3] =	sbarrier.arrive $0xFFFF  }
0x13e: {  	_ =	shalt  }

</sc_bundles>
